<compile_context>
chip_gen: v7x
topology: tpu7x:2x2x1
jax: 0.10.2.dev20260603
libtpu: 0.0.44.dev20260713+nightly
codegen_flags: <defaults>
</compile_context>

<pallas_src>
import functools

import jax
import jax.numpy as jnp
from jax import lax
from jax.experimental import pallas as pl
from jax.experimental.pallas import tpu as pltpu
from jax.experimental.pallas import tpu_sc as plsc

B, S, D, NS, MW = 16, 2048, 1024, 512, 12
LANES = 16
TS = 1024
NSTREAM = 4
CSUB = 8


def _sc_span_counts(starts, ends, smask, slab, tmask):
    mesh = plsc.VectorSubcoreMesh(core_axis_name="c", subcore_axis_name="s")
    info = plsc.get_sparse_core_info()
    nc = info.num_cores

    @functools.partial(
        pl.kernel,
        mesh=mesh,
        out_type=jax.ShapeDtypeStruct((B, S), jnp.int32),
        compiler_params=pltpu.CompilerParams(needs_layout_passes=False),
        scratch_types=[
            pltpu.VMEM((NS,), jnp.int32),
            pltpu.VMEM((NS,), jnp.int32),
            pltpu.VMEM((NS,), jnp.int32),
            pltpu.VMEM((NS,), jnp.int32),
            pltpu.VMEM((S,), jnp.int32),
            pltpu.VMEM((S,), jnp.int32),
        ],
    )
    def sc_kernel(st_hbm, en_hbm, mk_hbm, lb_hbm, tm_hbm, out_hbm,
                  st_v, en_v, mk_v, lb_v, tm_v, cnt_v):
        wid = lax.axis_index("s") * nc + lax.axis_index("c")

        @pl.when(wid < B)
        def _():
            bidx = wid
            pltpu.sync_copy(st_hbm.at[bidx], st_v)
            pltpu.sync_copy(en_hbm.at[bidx], en_v)
            pltpu.sync_copy(mk_hbm.at[bidx], mk_v)
            pltpu.sync_copy(lb_hbm.at[bidx], lb_v)
            pltpu.sync_copy(tm_hbm.at[bidx], tm_v)

            def zero_body(i, carry):
                sl = pl.ds(i * LANES, LANES)
                cnt_v[sl] = tm_v[sl] << 30
                return carry

            lax.fori_loop(0, S // LANES, zero_body, 0)

            def span_body(i, carry):
                sl = pl.ds(i * LANES, LANES)
                st = st_v[sl]
                last = en_v[sl] - 1
                valid = (mk_v[sl] != 0) & (lb_v[sl] > 0)
                single = last == st
                val_start = jnp.where(
                    valid,
                    jnp.where(single, jnp.int32(1 << 20), jnp.int32(1)),
                    jnp.int32(0),
                )
                val_last = jnp.where(
                    valid & (~single), jnp.int32(1 << 10), jnp.int32(0)
                )
                plsc.addupdate_scatter(cnt_v, [st], val_start)
                plsc.addupdate_scatter(cnt_v, [last], val_last)
                return carry

            lax.fori_loop(0, NS // LANES, span_body, 0)
            pltpu.sync_copy(cnt_v, out_hbm.at[bidx])

    return sc_kernel(starts, ends, smask, slab, tmask)


def _tc1_body(*refs):
    x_refs = refs[0:NSTREAM]
    wt_ref = refs[NSTREAM]
    bt_ref = refs[NSTREAM + 1]
    msk_ref = refs[NSTREAM + 2]
    logt_ref = refs[NSTREAM + 3]
    part_ref = refs[NSTREAM + 4]
    acc_ref = refs[NSTREAM + 5]

    i = pl.program_id(0)

    @pl.when(i == 0)
    def _():
        acc_ref[0] = jnp.float32(0.0)
        acc_ref[1] = jnp.float32(0.0)

    wt = wt_ref[...]
    bt = bt_ref[...]
    sub = lax.broadcasted_iota(jnp.int32, (CSUB, TS), 0)
    is_cls = sub < 4
    mfull = msk_ref[...].reshape(1, NSTREAM * TS)

    for k in range(NSTREAM):
        x = x_refs[k][...]
        lt = lax.dot_general(
            wt, x, (((1,), (1,)), ((), ())),
            preferred_element_type=jnp.float32,
        ) + bt
        logt_ref[:, pl.ds(k * TS, TS)] = lt
        ex = jnp.where(is_cls, jnp.exp(lt), 0.0)
        lse = jnp.log(jnp.sum(ex, axis=0, keepdims=True))
        m = mfull[:, k * TS:(k + 1) * TS]
        acc_ref[0] += jnp.sum(lse * m)
        acc_ref[1] += jnp.sum(m)

    @pl.when(i == pl.num_programs(0) - 1)
    def _():
        part_ref[0, 0] = acc_ref[0]
        part_ref[1, 0] = acc_ref[1]


def _tc2_body(logt_ref, cnt_ref, part_ref, out_ref, acc_ref):
    i = pl.program_id(0)

    @pl.when(i == 0)
    def _():
        acc_ref[0] = jnp.float32(0.0)

    v = cnt_ref[...].reshape(1, S)
    c_single = (v >> 20) & 1023
    c_last = (v >> 10) & 1023
    c_start = v & 1023
    lab = jnp.where(
        c_single > 0,
        jnp.int32(2),
        jnp.where(
            c_last > 0, jnp.int32(1),
            jnp.where(c_start > 0, jnp.int32(0), jnp.int32(3)),
        ),
    )
    m = ((v >> 30) & 1).astype(jnp.float32)

    lt = logt_ref[...]
    sub = lax.broadcasted_iota(jnp.int32, (CSUB, S), 0)
    sel = jnp.sum(jnp.where(sub == lab, lt, 0.0), axis=0, keepdims=True)
    acc_ref[0] += jnp.sum(sel * m)

    @pl.when(i == pl.num_programs(0) - 1)
    def _():
        out_ref[0, 0] = (part_ref[0, 0] - acc_ref[0]) / jnp.maximum(
            part_ref[1, 0], 1.0
        )


def kernel(token_reps, token_masks, span_ids, span_masks, span_labels, W, b):
    starts = span_ids[..., 0].astype(jnp.int32)
    ends = span_ids[..., 1].astype(jnp.int32)
    smask = span_masks.astype(jnp.int32)
    slab = span_labels.astype(jnp.int32)
    tmask = token_masks.astype(jnp.int32)

    counts = _sc_span_counts(starts, ends, smask, slab, tmask)
    cnt3 = counts.reshape(B, 1, S)

    x = token_reps.reshape(B * S, D)
    wt = jnp.pad(W.astype(jnp.float32), ((0, CSUB - 4), (0, 0)))
    bt = jnp.pad(b.astype(jnp.float32).reshape(4, 1), ((0, CSUB - 4), (0, 0)))
    nb = (B * S) // TS
    q = nb // NSTREAM
    msk3 = token_masks.astype(jnp.float32).reshape(q, 1, NSTREAM * TS)

    def xmap(off):
        return lambda i: (NSTREAM * i + off, 0)

    logt, part = pl.pallas_call(
        _tc1_body,
        grid=(q,),
        in_specs=(
            [pl.BlockSpec((TS, D), xmap(k)) for k in range(NSTREAM)]
            + [pl.BlockSpec((CSUB, D), lambda i: (0, 0)),
               pl.BlockSpec((CSUB, 1), lambda i: (0, 0)),
               pl.BlockSpec((1, 1, NSTREAM * TS), lambda i: (i, 0, 0))]
        ),
        out_specs=[
            pl.BlockSpec((CSUB, NSTREAM * TS), lambda i: (0, i)),
            pl.BlockSpec(memory_space=pltpu.MemorySpace.SMEM),
        ],
        out_shape=[
            jax.ShapeDtypeStruct((CSUB, B * S), jnp.float32),
            jax.ShapeDtypeStruct((2, 1), jnp.float32),
        ],
        scratch_shapes=[pltpu.SMEM((2,), jnp.float32)],
    )(*([x] * NSTREAM), wt, bt, msk3)

    out = pl.pallas_call(
        _tc2_body,
        grid=(B,),
        in_specs=[
            pl.BlockSpec((CSUB, S), lambda i: (0, i)),
            pl.BlockSpec((1, 1, S), lambda i: (i, 0, 0)),
            pl.BlockSpec(memory_space=pltpu.MemorySpace.SMEM),
        ],
        out_specs=pl.BlockSpec(memory_space=pltpu.MemorySpace.SMEM),
        out_shape=jax.ShapeDtypeStruct((1, 1), jnp.float32),
        scratch_shapes=[pltpu.SMEM((1,), jnp.float32)],
    )(logt, cnt3, part)

    return out[0, 0]

# --- scband reference (transcript-rebuilt; emitter-appended) ---
"""Pipeline reference for scband-token-tagger-25615184954094 (READ-ONLY COPY).

The authoritative reference and input builder live on the scoring server;
editing this copy changes nothing except your own understanding.
"""

import jax, jax.numpy as jnp
import numpy as np

B, S, D, NS, MW = 16, 2048, 1024, 512, 12

def setup_inputs(seed: int = 0):
    key = jax.random.key(seed)
    ks = jax.random.split(key, 6)
    token_reps = jax.random.normal(ks[0], (B, S, D), dtype=jnp.float32)
    lengths = jax.random.randint(ks[1], (B,), S // 2, S + 1)
    token_masks = jnp.arange(S)[None, :] < lengths[:, None]
    starts = jax.random.randint(ks[2], (B, NS), 0, S - MW)
    widths = jax.random.randint(ks[3], (B, NS), 1, MW + 1)
    span_ids = jnp.stack([starts, starts + widths], axis=-1)
    span_masks = (starts + widths) <= lengths[:, None]
    span_labels = jax.random.randint(ks[4], (B, NS), 0, 5)
    limit = float(np.sqrt(6.0 / (D + 4)))
    W = jax.random.uniform(ks[5], (4, D), minval=-limit, maxval=limit, dtype=jnp.float32)
    b = jnp.zeros((4,), dtype=jnp.float32)
    return {"token_reps": token_reps, "token_masks": token_masks, "span_ids": span_ids, "span_masks": span_masks, "span_labels": span_labels, "W": W, "b": b}

def _make_token_labels(token_masks, span_ids, span_masks, span_labels):
    # BECO tagging: B=0 at span start, E=1 at span last token, C=2 for single-token spans, O=3 elsewhere
    Bb, Ss = token_masks.shape
    starts = span_ids[..., 0]
    last = span_ids[..., 1] - 1
    valid = span_masks & (span_labels > 0)
    single = valid & (last == starts)
    multi = valid & (last > starts)
    bidx = jnp.arange(Bb)[:, None]
    flat_start = (bidx * Ss + starts).reshape(-1)
    flat_last = (bidx * Ss + last).reshape(-1)
    dummy = Bb * Ss
    labels = jnp.full((Bb * Ss + 1,), 3, dtype=jnp.int32)
    labels = labels.at[jnp.where(multi.reshape(-1), flat_start, dummy)].set(0)
    labels = labels.at[jnp.where(multi.reshape(-1), flat_last, dummy)].set(1)
    labels = labels.at[jnp.where(single.reshape(-1), flat_start, dummy)].set(2)
    return labels[: Bb * Ss].reshape(Bb, Ss)

def reference(token_reps, token_masks, span_ids, span_masks, span_labels, W, b):
    # token tag head: logits over {B, E, C, O}
    logits = jnp.einsum('bsd,cd->bsc', token_reps, W) + b
    token_labels = _make_token_labels(token_masks, span_ids, span_masks, span_labels)
    logp = jax.nn.log_softmax(logits, axis=-1)
    nll = -jnp.take_along_axis(logp, token_labels[..., None], axis=-1)[..., 0]
    m = token_masks.astype(jnp.float32)
    loss = jnp.sum(nll * m) / jnp.maximum(jnp.sum(m), 1.0)
    return loss

if __name__ == "__main__":
    import jax
    _d = setup_inputs()
    print(jax.jit(kernel)(*tuple(_d.values())))

</pallas_src>

<mosaic_0001>
#map = affine_map<(d0, d1) -> (0, 0)>
module attributes {stable_mosaic.version = 14 : i64} {
  func.func @sc_kernel(%arg0: i32, %arg1: i32, %arg2: memref<16x512xi32, #tpu.memory_space<hbm>>, %arg3: memref<16x512xi32, #tpu.memory_space<hbm>>, %arg4: memref<16x512xi32, #tpu.memory_space<hbm>>, %arg5: memref<16x512xi32, #tpu.memory_space<hbm>>, %arg6: memref<16x2048xi32, #tpu.memory_space<hbm>>, %arg7: memref<16x2048xi32, #tpu.memory_space<hbm>>, %arg8: memref<512xi32, #tpu.memory_space<vmem>>, %arg9: memref<512xi32, #tpu.memory_space<vmem>>, %arg10: memref<512xi32, #tpu.memory_space<vmem>>, %arg11: memref<512xi32, #tpu.memory_space<vmem>>, %arg12: memref<2048xi32, #tpu.memory_space<vmem>>, %arg13: memref<2048xi32, #tpu.memory_space<vmem>>) attributes {dimension_semantics = [#tpu.dimension_semantics<core_parallel>, #tpu.dimension_semantics<subcore_parallel>], iteration_bounds = array<i64: 2, 16>, scalar_prefetch = 0 : i64, scratch_operands = 6 : i64, tpu.core_type = #tpu.core_type<sc_vector_subcore>, window_params = [{transform_indices = #map}, {transform_indices = #map}, {transform_indices = #map}, {transform_indices = #map}, {transform_indices = #map}, {transform_indices = #map}]} {
    %mul3A = arith.constant 2 : i32
    %mul3A_0 = arith.muli %arg1, %mul3A : i32
    %add3A = arith.addi %mul3A_0, %arg0 : i32
    %lt3A = arith.constant 16 : i32
    %lt3A_1 = arith.cmpi slt, %add3A, %lt3A : i32
    %convert_element_type3A = arith.extui %lt3A_1 : i1 to i32
    %cond3A = arith.constant 0 : i32
    %cond3A_2 = arith.cmpi ne, %convert_element_type3A, %cond3A : i32
    scf.if %cond3A_2 {
      "tpu.region"() ({
        %run_scoped3A = tpu.sem_alloc : memref<!tpu.dma_semaphore, #tpu.memory_space<semaphore_mem>>
        %dma_start3A = arith.constant 0 : i32
        %dma_start3A_14 = tpu.memref_slice %arg2[%add3A, %dma_start3A] : memref<16x512xi32, #tpu.memory_space<hbm>> -> memref<1x512xi32, #tpu.memory_space<hbm>>
        %dma_start3A_15 = tpu.memref_squeeze %dma_start3A_14 : memref<1x512xi32, #tpu.memory_space<hbm>> -> memref<512xi32, #tpu.memory_space<hbm>>
        %dma_start3A_16 = arith.constant 0 : i32
        %dma_start3A_17 = tpu.memref_slice %arg2[%add3A, %dma_start3A_16] : memref<16x512xi32, #tpu.memory_space<hbm>> -> memref<1x512xi32, #tpu.memory_space<hbm>>
        %dma_start3A_18 = tpu.memref_squeeze %dma_start3A_17 : memref<1x512xi32, #tpu.memory_space<hbm>> -> memref<512xi32, #tpu.memory_space<hbm>>
        tpu.enqueue_dma source(%dma_start3A_18 : memref<512xi32, #tpu.memory_space<hbm>>) target(%arg8 : memref<512xi32, #tpu.memory_space<vmem>>) target_semaphore(%run_scoped3A : memref<!tpu.dma_semaphore, #tpu.memory_space<semaphore_mem>>)
        %dma_wait3A = arith.constant 0 : i32
        %dma_wait3A_19 = tpu.memref_slice %arg2[%add3A, %dma_wait3A] : memref<16x512xi32, #tpu.memory_space<hbm>> -> memref<1x512xi32, #tpu.memory_space<hbm>>
        %dma_wait3A_20 = tpu.memref_squeeze %dma_wait3A_19 : memref<1x512xi32, #tpu.memory_space<hbm>> -> memref<512xi32, #tpu.memory_space<hbm>>
        %dma_wait3A_21 = arith.constant 0 : i32
        %dma_wait3A_22 = tpu.memref_slice %arg2[%add3A, %dma_wait3A_21] : memref<16x512xi32, #tpu.memory_space<hbm>> -> memref<1x512xi32, #tpu.memory_space<hbm>>
        %dma_wait3A_23 = tpu.memref_squeeze %dma_wait3A_22 : memref<1x512xi32, #tpu.memory_space<hbm>> -> memref<512xi32, #tpu.memory_space<hbm>>
        tpu.wait_dma2 semaphore(%run_scoped3A : memref<!tpu.dma_semaphore, #tpu.memory_space<semaphore_mem>>) src(%dma_wait3A_23 : memref<512xi32, #tpu.memory_space<hbm>>) dst(%arg8 : memref<512xi32, #tpu.memory_space<vmem>>)
        tpu.yield
      }) : () -> ()
      "tpu.region"() ({
        %run_scoped3A = tpu.sem_alloc : memref<!tpu.dma_semaphore, #tpu.memory_space<semaphore_mem>>
        %dma_start3A = arith.constant 0 : i32
        %dma_start3A_14 = tpu.memref_slice %arg3[%add3A, %dma_start3A] : memref<16x512xi32, #tpu.memory_space<hbm>> -> memref<1x512xi32, #tpu.memory_space<hbm>>
        %dma_start3A_15 = tpu.memref_squeeze %dma_start3A_14 : memref<1x512xi32, #tpu.memory_space<hbm>> -> memref<512xi32, #tpu.memory_space<hbm>>
        %dma_start3A_16 = arith.constant 0 : i32
        %dma_start3A_17 = tpu.memref_slice %arg3[%add3A, %dma_start3A_16] : memref<16x512xi32, #tpu.memory_space<hbm>> -> memref<1x512xi32, #tpu.memory_space<hbm>>
        %dma_start3A_18 = tpu.memref_squeeze %dma_start3A_17 : memref<1x512xi32, #tpu.memory_space<hbm>> -> memref<512xi32, #tpu.memory_space<hbm>>
        tpu.enqueue_dma source(%dma_start3A_18 : memref<512xi32, #tpu.memory_space<hbm>>) target(%arg9 : memref<512xi32, #tpu.memory_space<vmem>>) target_semaphore(%run_scoped3A : memref<!tpu.dma_semaphore, #tpu.memory_space<semaphore_mem>>)
        %dma_wait3A = arith.constant 0 : i32
        %dma_wait3A_19 = tpu.memref_slice %arg3[%add3A, %dma_wait3A] : memref<16x512xi32, #tpu.memory_space<hbm>> -> memref<1x512xi32, #tpu.memory_space<hbm>>
        %dma_wait3A_20 = tpu.memref_squeeze %dma_wait3A_19 : memref<1x512xi32, #tpu.memory_space<hbm>> -> memref<512xi32, #tpu.memory_space<hbm>>
        %dma_wait3A_21 = arith.constant 0 : i32
        %dma_wait3A_22 = tpu.memref_slice %arg3[%add3A, %dma_wait3A_21] : memref<16x512xi32, #tpu.memory_space<hbm>> -> memref<1x512xi32, #tpu.memory_space<hbm>>
        %dma_wait3A_23 = tpu.memref_squeeze %dma_wait3A_22 : memref<1x512xi32, #tpu.memory_space<hbm>> -> memref<512xi32, #tpu.memory_space<hbm>>
        tpu.wait_dma2 semaphore(%run_scoped3A : memref<!tpu.dma_semaphore, #tpu.memory_space<semaphore_mem>>) src(%dma_wait3A_23 : memref<512xi32, #tpu.memory_space<hbm>>) dst(%arg9 : memref<512xi32, #tpu.memory_space<vmem>>)
        tpu.yield
      }) : () -> ()
      "tpu.region"() ({
        %run_scoped3A = tpu.sem_alloc : memref<!tpu.dma_semaphore, #tpu.memory_space<semaphore_mem>>
        %dma_start3A = arith.constant 0 : i32
        %dma_start3A_14 = tpu.memref_slice %arg4[%add3A, %dma_start3A] : memref<16x512xi32, #tpu.memory_space<hbm>> -> memref<1x512xi32, #tpu.memory_space<hbm>>
        %dma_start3A_15 = tpu.memref_squeeze %dma_start3A_14 : memref<1x512xi32, #tpu.memory_space<hbm>> -> memref<512xi32, #tpu.memory_space<hbm>>
        %dma_start3A_16 = arith.constant 0 : i32
        %dma_start3A_17 = tpu.memref_slice %arg4[%add3A, %dma_start3A_16] : memref<16x512xi32, #tpu.memory_space<hbm>> -> memref<1x512xi32, #tpu.memory_space<hbm>>
        %dma_start3A_18 = tpu.memref_squeeze %dma_start3A_17 : memref<1x512xi32, #tpu.memory_space<hbm>> -> memref<512xi32, #tpu.memory_space<hbm>>
        tpu.enqueue_dma source(%dma_start3A_18 : memref<512xi32, #tpu.memory_space<hbm>>) target(%arg10 : memref<512xi32, #tpu.memory_space<vmem>>) target_semaphore(%run_scoped3A : memref<!tpu.dma_semaphore, #tpu.memory_space<semaphore_mem>>)
        %dma_wait3A = arith.constant 0 : i32
        %dma_wait3A_19 = tpu.memref_slice %arg4[%add3A, %dma_wait3A] : memref<16x512xi32, #tpu.memory_space<hbm>> -> memref<1x512xi32, #tpu.memory_space<hbm>>
        %dma_wait3A_20 = tpu.memref_squeeze %dma_wait3A_19 : memref<1x512xi32, #tpu.memory_space<hbm>> -> memref<512xi32, #tpu.memory_space<hbm>>
        %dma_wait3A_21 = arith.constant 0 : i32
        %dma_wait3A_22 = tpu.memref_slice %arg4[%add3A, %dma_wait3A_21] : memref<16x512xi32, #tpu.memory_space<hbm>> -> memref<1x512xi32, #tpu.memory_space<hbm>>
        %dma_wait3A_23 = tpu.memref_squeeze %dma_wait3A_22 : memref<1x512xi32, #tpu.memory_space<hbm>> -> memref<512xi32, #tpu.memory_space<hbm>>
        tpu.wait_dma2 semaphore(%run_scoped3A : memref<!tpu.dma_semaphore, #tpu.memory_space<semaphore_mem>>) src(%dma_wait3A_23 : memref<512xi32, #tpu.memory_space<hbm>>) dst(%arg10 : memref<512xi32, #tpu.memory_space<vmem>>)
        tpu.yield
      }) : () -> ()
      "tpu.region"() ({
        %run_scoped3A = tpu.sem_alloc : memref<!tpu.dma_semaphore, #tpu.memory_space<semaphore_mem>>
        %dma_start3A = arith.constant 0 : i32
        %dma_start3A_14 = tpu.memref_slice %arg5[%add3A, %dma_start3A] : memref<16x512xi32, #tpu.memory_space<hbm>> -> memref<1x512xi32, #tpu.memory_space<hbm>>
        %dma_start3A_15 = tpu.memref_squeeze %dma_start3A_14 : memref<1x512xi32, #tpu.memory_space<hbm>> -> memref<512xi32, #tpu.memory_space<hbm>>
        %dma_start3A_16 = arith.constant 0 : i32
        %dma_start3A_17 = tpu.memref_slice %arg5[%add3A, %dma_start3A_16] : memref<16x512xi32, #tpu.memory_space<hbm>> -> memref<1x512xi32, #tpu.memory_space<hbm>>
        %dma_start3A_18 = tpu.memref_squeeze %dma_start3A_17 : memref<1x512xi32, #tpu.memory_space<hbm>> -> memref<512xi32, #tpu.memory_space<hbm>>
        tpu.enqueue_dma source(%dma_start3A_18 : memref<512xi32, #tpu.memory_space<hbm>>) target(%arg11 : memref<512xi32, #tpu.memory_space<vmem>>) target_semaphore(%run_scoped3A : memref<!tpu.dma_semaphore, #tpu.memory_space<semaphore_mem>>)
        %dma_wait3A = arith.constant 0 : i32
        %dma_wait3A_19 = tpu.memref_slice %arg5[%add3A, %dma_wait3A] : memref<16x512xi32, #tpu.memory_space<hbm>> -> memref<1x512xi32, #tpu.memory_space<hbm>>
        %dma_wait3A_20 = tpu.memref_squeeze %dma_wait3A_19 : memref<1x512xi32, #tpu.memory_space<hbm>> -> memref<512xi32, #tpu.memory_space<hbm>>
        %dma_wait3A_21 = arith.constant 0 : i32
        %dma_wait3A_22 = tpu.memref_slice %arg5[%add3A, %dma_wait3A_21] : memref<16x512xi32, #tpu.memory_space<hbm>> -> memref<1x512xi32, #tpu.memory_space<hbm>>
        %dma_wait3A_23 = tpu.memref_squeeze %dma_wait3A_22 : memref<1x512xi32, #tpu.memory_space<hbm>> -> memref<512xi32, #tpu.memory_space<hbm>>
        tpu.wait_dma2 semaphore(%run_scoped3A : memref<!tpu.dma_semaphore, #tpu.memory_space<semaphore_mem>>) src(%dma_wait3A_23 : memref<512xi32, #tpu.memory_space<hbm>>) dst(%arg11 : memref<512xi32, #tpu.memory_space<vmem>>)
        tpu.yield
      }) : () -> ()
      "tpu.region"() ({
        %run_scoped3A = tpu.sem_alloc : memref<!tpu.dma_semaphore, #tpu.memory_space<semaphore_mem>>
        %dma_start3A = arith.constant 0 : i32
        %dma_start3A_14 = tpu.memref_slice %arg6[%add3A, %dma_start3A] : memref<16x2048xi32, #tpu.memory_space<hbm>> -> memref<1x2048xi32, #tpu.memory_space<hbm>>
        %dma_start3A_15 = tpu.memref_squeeze %dma_start3A_14 : memref<1x2048xi32, #tpu.memory_space<hbm>> -> memref<2048xi32, #tpu.memory_space<hbm>>
        %dma_start3A_16 = arith.constant 0 : i32
        %dma_start3A_17 = tpu.memref_slice %arg6[%add3A, %dma_start3A_16] : memref<16x2048xi32, #tpu.memory_space<hbm>> -> memref<1x2048xi32, #tpu.memory_space<hbm>>
        %dma_start3A_18 = tpu.memref_squeeze %dma_start3A_17 : memref<1x2048xi32, #tpu.memory_space<hbm>> -> memref<2048xi32, #tpu.memory_space<hbm>>
        tpu.enqueue_dma source(%dma_start3A_18 : memref<2048xi32, #tpu.memory_space<hbm>>) target(%arg12 : memref<2048xi32, #tpu.memory_space<vmem>>) target_semaphore(%run_scoped3A : memref<!tpu.dma_semaphore, #tpu.memory_space<semaphore_mem>>)
        %dma_wait3A = arith.constant 0 : i32
        %dma_wait3A_19 = tpu.memref_slice %arg6[%add3A, %dma_wait3A] : memref<16x2048xi32, #tpu.memory_space<hbm>> -> memref<1x2048xi32, #tpu.memory_space<hbm>>
        %dma_wait3A_20 = tpu.memref_squeeze %dma_wait3A_19 : memref<1x2048xi32, #tpu.memory_space<hbm>> -> memref<2048xi32, #tpu.memory_space<hbm>>
        %dma_wait3A_21 = arith.constant 0 : i32
        %dma_wait3A_22 = tpu.memref_slice %arg6[%add3A, %dma_wait3A_21] : memref<16x2048xi32, #tpu.memory_space<hbm>> -> memref<1x2048xi32, #tpu.memory_space<hbm>>
        %dma_wait3A_23 = tpu.memref_squeeze %dma_wait3A_22 : memref<1x2048xi32, #tpu.memory_space<hbm>> -> memref<2048xi32, #tpu.memory_space<hbm>>
        tpu.wait_dma2 semaphore(%run_scoped3A : memref<!tpu.dma_semaphore, #tpu.memory_space<semaphore_mem>>) src(%dma_wait3A_23 : memref<2048xi32, #tpu.memory_space<hbm>>) dst(%arg12 : memref<2048xi32, #tpu.memory_space<vmem>>)
        tpu.yield
      }) : () -> ()
      %scan3A = arith.constant 0 : i32
      %scan3A_3 = arith.constant 0 : i32
      %scan3A_4 = arith.constant 128 : i32
      %scan3A_5 = arith.addi %scan3A_3, %scan3A_4 : i32
      %scan3A_6 = arith.constant 1 : i32
      scf.for %scan3A_14 = %scan3A_3 to %scan3A_5 step %scan3A_6  : i32 {
        %mul3A_15 = arith.constant 16 : i32
        %mul3A_16 = arith.muli %scan3A_14, %mul3A_15 : i32
        %get3A = arith.index_cast %mul3A_16 : i32 to index
        %get3A_17 = tpu.vector_load %arg12[%get3A] {strides = array<i32>} : memref<2048xi32, #tpu.memory_space<vmem>>, vector<16xi32>,
        %shift_left3A = arith.constant 30 : i32
        %shift_left3A_18 = vector.broadcast %shift_left3A : i32 to vector<16xi32>
        %shift_left3A_19 = arith.shli %get3A_17, %shift_left3A_18 : vector<16xi32>
        %swap3A = arith.index_cast %mul3A_16 : i32 to index
        %swap3A_20 = tpu.vector_load %arg13[%swap3A] {strides = array<i32>} : memref<2048xi32, #tpu.memory_space<vmem>>, vector<16xi32>,
        tpu.vector_store %arg13[%swap3A], %shift_left3A_19 {strides = array<i32>} : memref<2048xi32, #tpu.memory_space<vmem>>, vector<16xi32>,
      }
      %scan3A_7 = arith.constant 128 : i32
      %scan3A_8 = arith.constant 0 : i32
      %scan3A_9 = arith.constant 0 : i32
      %scan3A_10 = arith.constant 32 : i32
      %scan3A_11 = arith.addi %scan3A_9, %scan3A_10 : i32
      %scan3A_12 = arith.constant 1 : i32
      scf.for %scan3A_14 = %scan3A_9 to %scan3A_11 step %scan3A_12  : i32 {
        %mul3A_15 = arith.constant 16 : i32
        %mul3A_16 = arith.muli %scan3A_14, %mul3A_15 : i32
        %get3A = arith.index_cast %mul3A_16 : i32 to index
        %get3A_17 = tpu.vector_load %arg8[%get3A] {strides = array<i32>} : memref<512xi32, #tpu.memory_space<vmem>>, vector<16xi32>,
        %get3A_18 = arith.index_cast %mul3A_16 : i32 to index
        %get3A_19 = tpu.vector_load %arg9[%get3A_18] {strides = array<i32>} : memref<512xi32, #tpu.memory_space<vmem>>, vector<16xi32>,
        %sub3A = arith.constant 1 : i32
        %sub3A_20 = vector.broadcast %sub3A : i32 to vector<16xi32>
        %sub3A_21 = arith.subi %get3A_19, %sub3A_20 : vector<16xi32>
        %get3A_22 = arith.index_cast %mul3A_16 : i32 to index
        %get3A_23 = tpu.vector_load %arg10[%get3A_22] {strides = array<i32>} : memref<512xi32, #tpu.memory_space<vmem>>, vector<16xi32>,
        %ne3A = arith.constant 0 : i32
        %ne3A_24 = vector.broadcast %ne3A : i32 to vector<16xi32>
        %ne3A_25 = arith.cmpi ne, %get3A_23, %ne3A_24 : vector<16xi32>
        %get3A_26 = arith.index_cast %mul3A_16 : i32 to index
        %get3A_27 = tpu.vector_load %arg11[%get3A_26] {strides = array<i32>} : memref<512xi32, #tpu.memory_space<vmem>>, vector<16xi32>,
        %gt3A = arith.constant 0 : i32
        %gt3A_28 = vector.broadcast %gt3A : i32 to vector<16xi32>
        %gt3A_29 = arith.cmpi sgt, %get3A_27, %gt3A_28 : vector<16xi32>
        %and3A = arith.andi %ne3A_25, %gt3A_29 : vector<16xi1>
        %eq3A = arith.cmpi eq, %sub3A_21, %get3A_17 : vector<16xi32>
        %jit3A = arith.constant 1048576 : i32
        %jit3A_30 = arith.constant 1 : i32
        %broadcast_in_dim3A = vector.broadcast %jit3A : i32 to vector<16xi32>
        %broadcast_in_dim3A_31 = vector.broadcast %jit3A_30 : i32 to vector<16xi32>
        %select_n3A = arith.select %eq3A, %broadcast_in_dim3A, %broadcast_in_dim3A_31 : vector<16xi1>, vector<16xi32>
        %jit3A_32 = arith.constant 0 : i32
        %broadcast_in_dim3A_33 = vector.broadcast %jit3A_32 : i32 to vector<16xi32>
        %select_n3A_34 = arith.select %and3A, %select_n3A, %broadcast_in_dim3A_33 : vector<16xi1>, vector<16xi32>
        %not3A = arith.constant dense<true> : vector<16xi1>
        %not3A_35 = arith.xori %eq3A, %not3A : vector<16xi1>
        %and3A_36 = arith.andi %and3A, %not3A_35 : vector<16xi1>
        %jit3A_37 = arith.constant 1024 : i32
        %jit3A_38 = arith.constant 0 : i32
        %broadcast_in_dim3A_39 = vector.broadcast %jit3A_37 : i32 to vector<16xi32>
        %broadcast_in_dim3A_40 = vector.broadcast %jit3A_38 : i32 to vector<16xi32>
        %select_n3A_41 = arith.select %and3A_36, %broadcast_in_dim3A_39, %broadcast_in_dim3A_40 : vector<16xi1>, vector<16xi32>
        tpu.vector_store_idx %arg13[%get3A_17], %select_n3A_34 {add = true} : memref<2048xi32, #tpu.memory_space<vmem>>[vector<16xi32>], vector<16xi32>,
        tpu.vector_store_idx %arg13[%sub3A_21], %select_n3A_41 {add = true} : memref<2048xi32, #tpu.memory_space<vmem>>[vector<16xi32>], vector<16xi32>,
      }
      %scan3A_13 = arith.constant 32 : i32
      "tpu.region"() ({
        %run_scoped3A = tpu.sem_alloc : memref<!tpu.dma_semaphore, #tpu.memory_space<semaphore_mem>>
        %dma_start3A = arith.constant 0 : i32
        %dma_start3A_14 = tpu.memref_slice %arg7[%add3A, %dma_start3A] : memref<16x2048xi32, #tpu.memory_space<hbm>> -> memref<1x2048xi32, #tpu.memory_space<hbm>>
        %dma_start3A_15 = tpu.memref_squeeze %dma_start3A_14 : memref<1x2048xi32, #tpu.memory_space<hbm>> -> memref<2048xi32, #tpu.memory_space<hbm>>
        %dma_start3A_16 = arith.constant 0 : i32
        %dma_start3A_17 = tpu.memref_slice %arg7[%add3A, %dma_start3A_16] : memref<16x2048xi32, #tpu.memory_space<hbm>> -> memref<1x2048xi32, #tpu.memory_space<hbm>>
        %dma_start3A_18 = tpu.memref_squeeze %dma_start3A_17 : memref<1x2048xi32, #tpu.memory_space<hbm>> -> memref<2048xi32, #tpu.memory_space<hbm>>
        tpu.enqueue_dma source(%arg13 : memref<2048xi32, #tpu.memory_space<vmem>>) target(%dma_start3A_18 : memref<2048xi32, #tpu.memory_space<hbm>>) target_semaphore(%run_scoped3A : memref<!tpu.dma_semaphore, #tpu.memory_space<semaphore_mem>>)
        %dma_wait3A = arith.constant 0 : i32
        %dma_wait3A_19 = tpu.memref_slice %arg7[%add3A, %dma_wait3A] : memref<16x2048xi32, #tpu.memory_space<hbm>> -> memref<1x2048xi32, #tpu.memory_space<hbm>>
        %dma_wait3A_20 = tpu.memref_squeeze %dma_wait3A_19 : memref<1x2048xi32, #tpu.memory_space<hbm>> -> memref<2048xi32, #tpu.memory_space<hbm>>
        %dma_wait3A_21 = arith.constant 0 : i32
        %dma_wait3A_22 = tpu.memref_slice %arg7[%add3A, %dma_wait3A_21] : memref<16x2048xi32, #tpu.memory_space<hbm>> -> memref<1x2048xi32, #tpu.memory_space<hbm>>
        %dma_wait3A_23 = tpu.memref_squeeze %dma_wait3A_22 : memref<1x2048xi32, #tpu.memory_space<hbm>> -> memref<2048xi32, #tpu.memory_space<hbm>>
        tpu.wait_dma2 semaphore(%run_scoped3A : memref<!tpu.dma_semaphore, #tpu.memory_space<semaphore_mem>>) src(%arg13 : memref<2048xi32, #tpu.memory_space<vmem>>) dst(%dma_wait3A_23 : memref<2048xi32, #tpu.memory_space<hbm>>)
        tpu.yield
      }) : () -> ()
    } else {
    }
    return
  }
}

module attributes {stable_mosaic.version = 14 : i64} {
  func.func @_tc1_body(%arg0: i32, %arg1: memref<1024x1024xf32, #tpu.memory_space<vmem>>, %arg2: memref<1024x1024xf32, #tpu.memory_space<vmem>>, %arg3: memref<1024x1024xf32, #tpu.memory_space<vmem>>, %arg4: memref<1024x1024xf32, #tpu.memory_space<vmem>>, %arg5: memref<8x1024xf32, #tpu.memory_space<vmem>>, %arg6: memref<8x1xf32, #tpu.memory_space<vmem>>, %arg7: memref<1x1x4096xf32, #tpu.memory_space<vmem>>, %arg8: memref<8x4096xf32, #tpu.memory_space<vmem>>, %arg9: memref<2x1xf32, #tpu.memory_space<smem>>, %arg10: memref<2xf32, #tpu.memory_space<smem>>) attributes {dimension_semantics = [#tpu.dimension_semantics<arbitrary>], iteration_bounds = array<i64: 8>, scalar_prefetch = 0 : i64, scratch_operands = 1 : i64, tpu.core_type = #tpu.core_type<tc>, window_params = [{transform_indices = @transform_0, window_bounds = array<i64: 1024, 1024>}, {transform_indices = @transform_1, window_bounds = array<i64: 1024, 1024>}, {transform_indices = @transform_2, window_bounds = array<i64: 1024, 1024>}, {transform_indices = @transform_3, window_bounds = array<i64: 1024, 1024>}, {pipeline_mode = #tpu.pipeline_mode<synchronous>, transform_indices = @transform_4, window_bounds = array<i64: 8, 1024>}, {pipeline_mode = #tpu.pipeline_mode<synchronous>, transform_indices = @transform_5, window_bounds = array<i64: 8, 1>}, {transform_indices = @transform_6, window_bounds = array<i64: 1, 1, 4096>}, {transform_indices = @transform_7, window_bounds = array<i64: 8, 4096>}, {transform_indices = @transform_8, window_bounds = array<i64: 2, 1>}]} {
    %eq3A = arith.constant 0 : i32
    %eq3A_0 = arith.cmpi eq, %arg0, %eq3A : i32
    %convert_element_type3A = arith.extui %eq3A_0 : i1 to i32
    %cond3A = arith.constant 0 : i32
    %cond3A_1 = arith.cmpi ne, %convert_element_type3A, %cond3A : i32
    scf.if %cond3A_1 {
      %swap3A_167 = arith.constant 0.000000e+00 : f32
      %swap3A_168 = arith.constant 0 : index
      %swap3A_169 = memref.load %arg10[%swap3A_168] : memref<2xf32, #tpu.memory_space<smem>>
      memref.store %swap3A_167, %arg10[%swap3A_168] : memref<2xf32, #tpu.memory_space<smem>>
      %swap3A_170 = arith.constant 0.000000e+00 : f32
      %swap3A_171 = arith.constant 1 : index
      %swap3A_172 = memref.load %arg10[%swap3A_171] : memref<2xf32, #tpu.memory_space<smem>>
      memref.store %swap3A_170, %arg10[%swap3A_171] : memref<2xf32, #tpu.memory_space<smem>>
    } else {
    }
    %get3A = arith.constant 0 : index
    %get3A_2 = arith.constant 0 : index
    %get3A_3 = vector.load %arg5[%get3A, %get3A_2] : memref<8x1024xf32, #tpu.memory_space<vmem>>, vector<8x1024xf32>
    %get3A_4 = arith.constant 0 : index
    %get3A_5 = arith.constant 0 : index
    %get3A_6 = vector.load %arg6[%get3A_4, %get3A_5] : memref<8x1xf32, #tpu.memory_space<vmem>>, vector<8x1xf32>
    %iota3A = tpu.iota {dimensions = array<i32: 0>} : vector<8x1024xi32>
    %lt3A = arith.constant 4 : i32
    %lt3A_7 = vector.broadcast %lt3A : i32 to vector<8x1024xi32>
    %lt3A_8 = arith.cmpi slt, %iota3A, %lt3A_7 : vector<8x1024xi32>
    %get3A_9 = arith.constant 0 : index
    %get3A_10 = arith.constant 0 : index
    %get3A_11 = arith.constant 0 : index
    %get3A_12 = vector.load %arg7[%get3A_9, %get3A_10, %get3A_11] : memref<1x1x4096xf32, #tpu.memory_space<vmem>>, vector<1x1x4096xf32>
    %reshape3A = vector.shape_cast %get3A_12 : vector<1x1x4096xf32> to vector<1x4096xf32>
    %get3A_13 = arith.constant 0 : index
    %get3A_14 = arith.constant 0 : index
    %get3A_15 = vector.load %arg1[%get3A_13, %get3A_14] : memref<1024x1024xf32, #tpu.memory_space<vmem>>, vector<1024x1024xf32>
    %dot_general3A = arith.constant dense<0.000000e+00> : vector<8x1024xf32>
    %dot_general3A_16 = tpu.matmul %get3A_3, %get3A_15, %dot_general3A {dimension_numbers = #tpu.dot_dimension_numbers<[1], [1], [0], [0], [0, 0, 1, 0], [], []>, transpose_lhs_hint = false} : vector<8x1024xf32>, vector<1024x1024xf32>, vector<8x1024xf32> -> vector<8x1024xf32>
    %add3A = vector.broadcast %get3A_6 : vector<8x1xf32> to vector<8x1024xf32>
    %add3A_17 = arith.addf %dot_general3A_16, %add3A : vector<8x1024xf32>
    %swap3A = arith.constant 0 : index
    %swap3A_18 = arith.constant 0 : index
    %swap3A_19 = vector.load %arg8[%swap3A, %swap3A_18] : memref<8x4096xf32, #tpu.memory_space<vmem>>, vector<8x1024xf32>
    tpu.vector_store %arg8[%swap3A, %swap3A_18], %add3A_17 {strides = array<i32>} : memref<8x4096xf32, #tpu.memory_space<vmem>>, vector<8x1024xf32>,
    %exp3A = math.exp %add3A_17 : vector<8x1024xf32>
    %jit3A = arith.constant 0.000000e+00 : f32
    %broadcast_in_dim3A = vector.broadcast %jit3A : f32 to vector<8x1024xf32>
    %select_n3A = arith.select %lt3A_8, %exp3A, %broadcast_in_dim3A : vector<8x1024xi1>, vector<8x1024xf32>
    %reduce_sum3A = arith.constant dense<0.000000e+00> : vector<1024xf32>
    %reduce_sum3A_20 = vector.multi_reduction <add>, %select_n3A, %reduce_sum3A [0] : vector<8x1024xf32> to vector<1024xf32>
    %broadcast_in_dim3A_21 = vector.shape_cast %reduce_sum3A_20 : vector<1024xf32> to vector<1x1024xf32>
    %log3A = math.log %broadcast_in_dim3A_21 : vector<1x1024xf32>
    %slice3A = vector.extract_strided_slice %reshape3A {offsets = [0, 0], sizes = [1, 1024], strides = [1, 1]} : vector<1x4096xf32> to vector<1x1024xf32>
    %get3A_22 = arith.constant 0 : index
    %get3A_23 = memref.load %arg10[%get3A_22] : memref<2xf32, #tpu.memory_space<smem>>
    %mul3A = arith.mulf %log3A, %slice3A : vector<1x1024xf32>
    %reduce_sum3A_24 = vector.shape_cast %mul3A : vector<1x1024xf32> to vector<1x1x1024xf32>
    %reduce_sum3A_25 = arith.constant dense<0.000000e+00> : vector<1xf32>
    %reduce_sum3A_26 = vector.multi_reduction <add>, %reduce_sum3A_24, %reduce_sum3A_25 [1, 2] : vector<1x1x1024xf32> to vector<1xf32>
    %reduce_sum3A_27 = vector.shape_cast %reduce_sum3A_26 : vector<1xf32> to vector<1x1x1xf32>
    %reduce_sum3A_28 = vector.extract %reduce_sum3A_27[0, 0, 0] : f32 from vector<1x1x1xf32>
    %add3A_29 = arith.addf %get3A_23, %reduce_sum3A_28 : f32
    %swap3A_30 = arith.constant 0 : index
    %swap3A_31 = memref.load %arg10[%swap3A_30] : memref<2xf32, #tpu.memory_space<smem>>
    memref.store %add3A_29, %arg10[%swap3A_30] : memref<2xf32, #tpu.memory_space<smem>>
    %get3A_32 = arith.constant 1 : index
    %get3A_33 = memref.load %arg10[%get3A_32] : memref<2xf32, #tpu.memory_space<smem>>
    %reduce_sum3A_34 = vector.shape_cast %slice3A : vector<1x1024xf32> to vector<1x1x1024xf32>
    %reduce_sum3A_35 = arith.constant dense<0.000000e+00> : vector<1xf32>
    %reduce_sum3A_36 = vector.multi_reduction <add>, %reduce_sum3A_34, %reduce_sum3A_35 [1, 2] : vector<1x1x1024xf32> to vector<1xf32>
    %reduce_sum3A_37 = vector.shape_cast %reduce_sum3A_36 : vector<1xf32> to vector<1x1x1xf32>
    %reduce_sum3A_38 = vector.extract %reduce_sum3A_37[0, 0, 0] : f32 from vector<1x1x1xf32>
    %add3A_39 = arith.addf %get3A_33, %reduce_sum3A_38 : f32
    %swap3A_40 = arith.constant 1 : index
    %swap3A_41 = memref.load %arg10[%swap3A_40] : memref<2xf32, #tpu.memory_space<smem>>
    memref.store %add3A_39, %arg10[%swap3A_40] : memref<2xf32, #tpu.memory_space<smem>>
    %get3A_42 = arith.constant 0 : index
    %get3A_43 = arith.constant 0 : index
    %get3A_44 = vector.load %arg2[%get3A_42, %get3A_43] : memref<1024x1024xf32, #tpu.memory_space<vmem>>, vector<1024x1024xf32>
    %dot_general3A_45 = arith.constant dense<0.000000e+00> : vector<8x1024xf32>
    %dot_general3A_46 = tpu.matmul %get3A_3, %get3A_44, %dot_general3A_45 {dimension_numbers = #tpu.dot_dimension_numbers<[1], [1], [0], [0], [0, 0, 1, 0], [], []>, transpose_lhs_hint = false} : vector<8x1024xf32>, vector<1024x1024xf32>, vector<8x1024xf32> -> vector<8x1024xf32>
    %add3A_47 = vector.broadcast %get3A_6 : vector<8x1xf32> to vector<8x1024xf32>
    %add3A_48 = arith.addf %dot_general3A_46, %add3A_47 : vector<8x1024xf32>
    %swap3A_49 = arith.constant 0 : index
    %swap3A_50 = arith.constant 1024 : index
    %swap3A_51 = vector.load %arg8[%swap3A_49, %swap3A_50] : memref<8x4096xf32, #tpu.memory_space<vmem>>, vector<8x1024xf32>
    tpu.vector_store %arg8[%swap3A_49, %swap3A_50], %add3A_48 {strides = array<i32>} : memref<8x4096xf32, #tpu.memory_space<vmem>>, vector<8x1024xf32>,
    %exp3A_52 = math.exp %add3A_48 : vector<8x1024xf32>
    %jit3A_53 = arith.constant 0.000000e+00 : f32
    %broadcast_in_dim3A_54 = vector.broadcast %jit3A_53 : f32 to vector<8x1024xf32>
    %select_n3A_55 = arith.select %lt3A_8, %exp3A_52, %broadcast_in_dim3A_54 : vector<8x1024xi1>, vector<8x1024xf32>
    %reduce_sum3A_56 = arith.constant dense<0.000000e+00> : vector<1024xf32>
    %reduce_sum3A_57 = vector.multi_reduction <add>, %select_n3A_55, %reduce_sum3A_56 [0] : vector<8x1024xf32> to vector<1024xf32>
    %broadcast_in_dim3A_58 = vector.shape_cast %reduce_sum3A_57 : vector<1024xf32> to vector<1x1024xf32>
    %log3A_59 = math.log %broadcast_in_dim3A_58 : vector<1x1024xf32>
    %slice3A_60 = vector.extract_strided_slice %reshape3A {offsets = [0, 1024], sizes = [1, 1024], strides = [1, 1]} : vector<1x4096xf32> to vector<1x1024xf32>
    %get3A_61 = arith.constant 0 : index
    %get3A_62 = memref.load %arg10[%get3A_61] : memref<2xf32, #tpu.memory_space<smem>>
    %mul3A_63 = arith.mulf %log3A_59, %slice3A_60 : vector<1x1024xf32>
    %reduce_sum3A_64 = vector.shape_cast %mul3A_63 : vector<1x1024xf32> to vector<1x1x1024xf32>
    %reduce_sum3A_65 = arith.constant dense<0.000000e+00> : vector<1xf32>
    %reduce_sum3A_66 = vector.multi_reduction <add>, %reduce_sum3A_64, %reduce_sum3A_65 [1, 2] : vector<1x1x1024xf32> to vector<1xf32>
    %reduce_sum3A_67 = vector.shape_cast %reduce_sum3A_66 : vector<1xf32> to vector<1x1x1xf32>
    %reduce_sum3A_68 = vector.extract %reduce_sum3A_67[0, 0, 0] : f32 from vector<1x1x1xf32>
    %add3A_69 = arith.addf %get3A_62, %reduce_sum3A_68 : f32
    %swap3A_70 = arith.constant 0 : index
    %swap3A_71 = memref.load %arg10[%swap3A_70] : memref<2xf32, #tpu.memory_space<smem>>
    memref.store %add3A_69, %arg10[%swap3A_70] : memref<2xf32, #tpu.memory_space<smem>>
    %get3A_72 = arith.constant 1 : index
    %get3A_73 = memref.load %arg10[%get3A_72] : memref<2xf32, #tpu.memory_space<smem>>
    %reduce_sum3A_74 = vector.shape_cast %slice3A_60 : vector<1x1024xf32> to vector<1x1x1024xf32>
    %reduce_sum3A_75 = arith.constant dense<0.000000e+00> : vector<1xf32>
    %reduce_sum3A_76 = vector.multi_reduction <add>, %reduce_sum3A_74, %reduce_sum3A_75 [1, 2] : vector<1x1x1024xf32> to vector<1xf32>
    %reduce_sum3A_77 = vector.shape_cast %reduce_sum3A_76 : vector<1xf32> to vector<1x1x1xf32>
    %reduce_sum3A_78 = vector.extract %reduce_sum3A_77[0, 0, 0] : f32 from vector<1x1x1xf32>
    %add3A_79 = arith.addf %get3A_73, %reduce_sum3A_78 : f32
    %swap3A_80 = arith.constant 1 : index
    %swap3A_81 = memref.load %arg10[%swap3A_80] : memref<2xf32, #tpu.memory_space<smem>>
    memref.store %add3A_79, %arg10[%swap3A_80] : memref<2xf32, #tpu.memory_space<smem>>
    %get3A_82 = arith.constant 0 : index
    %get3A_83 = arith.constant 0 : index
    %get3A_84 = vector.load %arg3[%get3A_82, %get3A_83] : memref<1024x1024xf32, #tpu.memory_space<vmem>>, vector<1024x1024xf32>
    %dot_general3A_85 = arith.constant dense<0.000000e+00> : vector<8x1024xf32>
    %dot_general3A_86 = tpu.matmul %get3A_3, %get3A_84, %dot_general3A_85 {dimension_numbers = #tpu.dot_dimension_numbers<[1], [1], [0], [0], [0, 0, 1, 0], [], []>, transpose_lhs_hint = false} : vector<8x1024xf32>, vector<1024x1024xf32>, vector<8x1024xf32> -> vector<8x1024xf32>
    %add3A_87 = vector.broadcast %get3A_6 : vector<8x1xf32> to vector<8x1024xf32>
    %add3A_88 = arith.addf %dot_general3A_86, %add3A_87 : vector<8x1024xf32>
    %swap3A_89 = arith.constant 0 : index
    %swap3A_90 = arith.constant 2048 : index
    %swap3A_91 = vector.load %arg8[%swap3A_89, %swap3A_90] : memref<8x4096xf32, #tpu.memory_space<vmem>>, vector<8x1024xf32>
    tpu.vector_store %arg8[%swap3A_89, %swap3A_90], %add3A_88 {strides = array<i32>} : memref<8x4096xf32, #tpu.memory_space<vmem>>, vector<8x1024xf32>,
    %exp3A_92 = math.exp %add3A_88 : vector<8x1024xf32>
    %jit3A_93 = arith.constant 0.000000e+00 : f32
    %broadcast_in_dim3A_94 = vector.broadcast %jit3A_93 : f32 to vector<8x1024xf32>
    %select_n3A_95 = arith.select %lt3A_8, %exp3A_92, %broadcast_in_dim3A_94 : vector<8x1024xi1>, vector<8x1024xf32>
    %reduce_sum3A_96 = arith.constant dense<0.000000e+00> : vector<1024xf32>
    %reduce_sum3A_97 = vector.multi_reduction <add>, %select_n3A_95, %reduce_sum3A_96 [0] : vector<8x1024xf32> to vector<1024xf32>
    %broadcast_in_dim3A_98 = vector.shape_cast %reduce_sum3A_97 : vector<1024xf32> to vector<1x1024xf32>
    %log3A_99 = math.log %broadcast_in_dim3A_98 : vector<1x1024xf32>
    %slice3A_100 = vector.extract_strided_slice %reshape3A {offsets = [0, 2048], sizes = [1, 1024], strides = [1, 1]} : vector<1x4096xf32> to vector<1x1024xf32>
    %get3A_101 = arith.constant 0 : index
    %get3A_102 = memref.load %arg10[%get3A_101] : memref<2xf32, #tpu.memory_space<smem>>
    %mul3A_103 = arith.mulf %log3A_99, %slice3A_100 : vector<1x1024xf32>
    %reduce_sum3A_104 = vector.shape_cast %mul3A_103 : vector<1x1024xf32> to vector<1x1x1024xf32>
    %reduce_sum3A_105 = arith.constant dense<0.000000e+00> : vector<1xf32>
    %reduce_sum3A_106 = vector.multi_reduction <add>, %reduce_sum3A_104, %reduce_sum3A_105 [1, 2] : vector<1x1x1024xf32> to vector<1xf32>
    %reduce_sum3A_107 = vector.shape_cast %reduce_sum3A_106 : vector<1xf32> to vector<1x1x1xf32>
    %reduce_sum3A_108 = vector.extract %reduce_sum3A_107[0, 0, 0] : f32 from vector<1x1x1xf32>
    %add3A_109 = arith.addf %get3A_102, %reduce_sum3A_108 : f32
    %swap3A_110 = arith.constant 0 : index
    %swap3A_111 = memref.load %arg10[%swap3A_110] : memref<2xf32, #tpu.memory_space<smem>>
    memref.store %add3A_109, %arg10[%swap3A_110] : memref<2xf32, #tpu.memory_space<smem>>
    %get3A_112 = arith.constant 1 : index
    %get3A_113 = memref.load %arg10[%get3A_112] : memref<2xf32, #tpu.memory_space<smem>>
    %reduce_sum3A_114 = vector.shape_cast %slice3A_100 : vector<1x1024xf32> to vector<1x1x1024xf32>
    %reduce_sum3A_115 = arith.constant dense<0.000000e+00> : vector<1xf32>
    %reduce_sum3A_116 = vector.multi_reduction <add>, %reduce_sum3A_114, %reduce_sum3A_115 [1, 2] : vector<1x1x1024xf32> to vector<1xf32>
    %reduce_sum3A_117 = vector.shape_cast %reduce_sum3A_116 : vector<1xf32> to vector<1x1x1xf32>
    %reduce_sum3A_118 = vector.extract %reduce_sum3A_117[0, 0, 0] : f32 from vector<1x1x1xf32>
    %add3A_119 = arith.addf %get3A_113, %reduce_sum3A_118 : f32
    %swap3A_120 = arith.constant 1 : index
    %swap3A_121 = memref.load %arg10[%swap3A_120] : memref<2xf32, #tpu.memory_space<smem>>
    memref.store %add3A_119, %arg10[%swap3A_120] : memref<2xf32, #tpu.memory_space<smem>>
    %get3A_122 = arith.constant 0 : index
    %get3A_123 = arith.constant 0 : index
    %get3A_124 = vector.load %arg4[%get3A_122, %get3A_123] : memref<1024x1024xf32, #tpu.memory_space<vmem>>, vector<1024x1024xf32>
    %dot_general3A_125 = arith.constant dense<0.000000e+00> : vector<8x1024xf32>
    %dot_general3A_126 = tpu.matmul %get3A_3, %get3A_124, %dot_general3A_125 {dimension_numbers = #tpu.dot_dimension_numbers<[1], [1], [0], [0], [0, 0, 1, 0], [], []>, transpose_lhs_hint = false} : vector<8x1024xf32>, vector<1024x1024xf32>, vector<8x1024xf32> -> vector<8x1024xf32>
    %add3A_127 = vector.broadcast %get3A_6 : vector<8x1xf32> to vector<8x1024xf32>
    %add3A_128 = arith.addf %dot_general3A_126, %add3A_127 : vector<8x1024xf32>
    %swap3A_129 = arith.constant 0 : index
    %swap3A_130 = arith.constant 3072 : index
    %swap3A_131 = vector.load %arg8[%swap3A_129, %swap3A_130] : memref<8x4096xf32, #tpu.memory_space<vmem>>, vector<8x1024xf32>
    tpu.vector_store %arg8[%swap3A_129, %swap3A_130], %add3A_128 {strides = array<i32>} : memref<8x4096xf32, #tpu.memory_space<vmem>>, vector<8x1024xf32>,
    %exp3A_132 = math.exp %add3A_128 : vector<8x1024xf32>
    %jit3A_133 = arith.constant 0.000000e+00 : f32
    %broadcast_in_dim3A_134 = vector.broadcast %jit3A_133 : f32 to vector<8x1024xf32>
    %select_n3A_135 = arith.select %lt3A_8, %exp3A_132, %broadcast_in_dim3A_134 : vector<8x1024xi1>, vector<8x1024xf32>
    %reduce_sum3A_136 = arith.constant dense<0.000000e+00> : vector<1024xf32>
    %reduce_sum3A_137 = vector.multi_reduction <add>, %select_n3A_135, %reduce_sum3A_136 [0] : vector<8x1024xf32> to vector<1024xf32>
    %broadcast_in_dim3A_138 = vector.shape_cast %reduce_sum3A_137 : vector<1024xf32> to vector<1x1024xf32>
    %log3A_139 = math.log %broadcast_in_dim3A_138 : vector<1x1024xf32>
    %slice3A_140 = vector.extract_strided_slice %reshape3A {offsets = [0, 3072], sizes = [1, 1024], strides = [1, 1]} : vector<1x4096xf32> to vector<1x1024xf32>
    %get3A_141 = arith.constant 0 : index
    %get3A_142 = memref.load %arg10[%get3A_141] : memref<2xf32, #tpu.memory_space<smem>>
    %mul3A_143 = arith.mulf %log3A_139, %slice3A_140 : vector<1x1024xf32>
    %reduce_sum3A_144 = vector.shape_cast %mul3A_143 : vector<1x1024xf32> to vector<1x1x1024xf32>
    %reduce_sum3A_145 = arith.constant dense<0.000000e+00> : vector<1xf32>
    %reduce_sum3A_146 = vector.multi_reduction <add>, %reduce_sum3A_144, %reduce_sum3A_145 [1, 2] : vector<1x1x1024xf32> to vector<1xf32>
    %reduce_sum3A_147 = vector.shape_cast %reduce_sum3A_146 : vector<1xf32> to vector<1x1x1xf32>
    %reduce_sum3A_148 = vector.extract %reduce_sum3A_147[0, 0, 0] : f32 from vector<1x1x1xf32>
    %add3A_149 = arith.addf %get3A_142, %reduce_sum3A_148 : f32
    %swap3A_150 = arith.constant 0 : index
    %swap3A_151 = memref.load %arg10[%swap3A_150] : memref<2xf32, #tpu.memory_space<smem>>
    memref.store %add3A_149, %arg10[%swap3A_150] : memref<2xf32, #tpu.memory_space<smem>>
    %get3A_152 = arith.constant 1 : index
    %get3A_153 = memref.load %arg10[%get3A_152] : memref<2xf32, #tpu.memory_space<smem>>
    %reduce_sum3A_154 = vector.shape_cast %slice3A_140 : vector<1x1024xf32> to vector<1x1x1024xf32>
    %reduce_sum3A_155 = arith.constant dense<0.000000e+00> : vector<1xf32>
    %reduce_sum3A_156 = vector.multi_reduction <add>, %reduce_sum3A_154, %reduce_sum3A_155 [1, 2] : vector<1x1x1024xf32> to vector<1xf32>
    %reduce_sum3A_157 = vector.shape_cast %reduce_sum3A_156 : vector<1xf32> to vector<1x1x1xf32>
    %reduce_sum3A_158 = vector.extract %reduce_sum3A_157[0, 0, 0] : f32 from vector<1x1x1xf32>
    %add3A_159 = arith.addf %get3A_153, %reduce_sum3A_158 : f32
    %swap3A_160 = arith.constant 1 : index
    %swap3A_161 = memref.load %arg10[%swap3A_160] : memref<2xf32, #tpu.memory_space<smem>>
    memref.store %add3A_159, %arg10[%swap3A_160] : memref<2xf32, #tpu.memory_space<smem>>
    %eq3A_162 = arith.constant 7 : i32
    %eq3A_163 = arith.cmpi eq, %arg0, %eq3A_162 : i32
    %convert_element_type3A_164 = arith.extui %eq3A_163 : i1 to i32
    %cond3A_165 = arith.constant 0 : i32
    %cond3A_166 = arith.cmpi ne, %convert_element_type3A_164, %cond3A_165 : i32
    scf.if %cond3A_166 {
      %get3A_167 = arith.constant 0 : index
      %get3A_168 = memref.load %arg10[%get3A_167] : memref<2xf32, #tpu.memory_space<smem>>
      %swap3A_169 = arith.constant 0 : index
      %swap3A_170 = arith.constant 0 : index
      %swap3A_171 = memref.load %arg9[%swap3A_169, %swap3A_170] : memref<2x1xf32, #tpu.memory_space<smem>>
      memref.store %get3A_168, %arg9[%swap3A_169, %swap3A_170] : memref<2x1xf32, #tpu.memory_space<smem>>
      %get3A_172 = arith.constant 1 : index
      %get3A_173 = memref.load %arg10[%get3A_172] : memref<2xf32, #tpu.memory_space<smem>>
      %swap3A_174 = arith.constant 1 : index
      %swap3A_175 = arith.constant 0 : index
      %swap3A_176 = memref.load %arg9[%swap3A_174, %swap3A_175] : memref<2x1xf32, #tpu.memory_space<smem>>
      memref.store %get3A_173, %arg9[%swap3A_174, %swap3A_175] : memref<2x1xf32, #tpu.memory_space<smem>>
    } else {
    }
    return
  }
  func.func @transform_0(%arg0: i32) -> (i32, i32) {
    %mul3A = arith.constant 4 : i32
    %mul3A_0 = arith.muli %mul3A, %arg0 : i32
    %add3A = arith.constant 0 : i32
    %add3A_1 = arith.addi %mul3A_0, %add3A : i32
    %c0_i32 = arith.constant 0 : i32
    %c0_i32_2 = arith.constant 0 : i32
    return %add3A_1, %c0_i32 : i32, i32
  }
  func.func @transform_1(%arg0: i32) -> (i32, i32) {
    %mul3A = arith.constant 4 : i32
    %mul3A_0 = arith.muli %mul3A, %arg0 : i32
    %add3A = arith.constant 1 : i32
    %add3A_1 = arith.addi %mul3A_0, %add3A : i32
    %c0_i32 = arith.constant 0 : i32
    %c0_i32_2 = arith.constant 0 : i32
    return %add3A_1, %c0_i32 : i32, i32
  }
  func.func @transform_2(%arg0: i32) -> (i32, i32) {
    %mul3A = arith.constant 4 : i32
    %mul3A_0 = arith.muli %mul3A, %arg0 : i32
    %add3A = arith.constant 2 : i32
    %add3A_1 = arith.addi %mul3A_0, %add3A : i32
    %c0_i32 = arith.constant 0 : i32
    %c0_i32_2 = arith.constant 0 : i32
    return %add3A_1, %c0_i32 : i32, i32
  }
  func.func @transform_3(%arg0: i32) -> (i32, i32) {
    %mul3A = arith.constant 4 : i32
    %mul3A_0 = arith.muli %mul3A, %arg0 : i32
    %add3A = arith.constant 3 : i32
    %add3A_1 = arith.addi %mul3A_0, %add3A : i32
    %c0_i32 = arith.constant 0 : i32
    %c0_i32_2 = arith.constant 0 : i32
    return %add3A_1, %c0_i32 : i32, i32
  }
  func.func @transform_4(%arg0: i32) -> (i32, i32) {
    %c0_i32 = arith.constant 0 : i32
    %c0_i32_0 = arith.constant 0 : i32
    %c0_i32_1 = arith.constant 0 : i32
    return %c0_i32, %c0_i32_0 : i32, i32
  }
  func.func @transform_5(%arg0: i32) -> (i32, i32) {
    %c0_i32 = arith.constant 0 : i32
    %c0_i32_0 = arith.constant 0 : i32
    %c0_i32_1 = arith.constant 0 : i32
    return %c0_i32, %c0_i32_0 : i32, i32
  }
  func.func @transform_6(%arg0: i32) -> (i32, i32, i32) {
    %c0_i32 = arith.constant 0 : i32
    %c0_i32_0 = arith.constant 0 : i32
    %c0_i32_1 = arith.constant 0 : i32
    return %arg0, %c0_i32, %c0_i32_0 : i32, i32, i32
  }
  func.func @transform_7(%arg0: i32) -> (i32, i32) {
    %c0_i32 = arith.constant 0 : i32
    %c0_i32_0 = arith.constant 0 : i32
    return %c0_i32, %arg0 : i32, i32
  }
  func.func @transform_8(%arg0: i32) -> (i32, i32) {
    %c0_i32 = arith.constant 0 : i32
    %c0_i32_0 = arith.constant 0 : i32
    %c0_i32_1 = arith.constant 0 : i32
    return %c0_i32, %c0_i32_0 : i32, i32
  }
}

module attributes {stable_mosaic.version = 14 : i64} {
  func.func @_tc2_body(%arg0: i32, %arg1: memref<8x2048xf32, #tpu.memory_space<vmem>>, %arg2: memref<1x1x2048xi32, #tpu.memory_space<vmem>>, %arg3: memref<2x1xf32, #tpu.memory_space<smem>>, %arg4: memref<1x1xf32, #tpu.memory_space<smem>>, %arg5: memref<1xf32, #tpu.memory_space<smem>>) attributes {dimension_semantics = [#tpu.dimension_semantics<arbitrary>], iteration_bounds = array<i64: 16>, scalar_prefetch = 0 : i64, scratch_operands = 1 : i64, tpu.core_type = #tpu.core_type<tc>, window_params = [{transform_indices = @transform_0, window_bounds = array<i64: 8, 2048>}, {transform_indices = @transform_1, window_bounds = array<i64: 1, 1, 2048>}, {transform_indices = @transform_2, window_bounds = array<i64: 2, 1>}, {transform_indices = @transform_3, window_bounds = array<i64: 1, 1>}]} {
    %eq3A = arith.constant 0 : i32
    %eq3A_0 = arith.cmpi eq, %arg0, %eq3A : i32
    %convert_element_type3A = arith.extui %eq3A_0 : i1 to i32
    %cond3A = arith.constant 0 : i32
    %cond3A_1 = arith.cmpi ne, %convert_element_type3A, %cond3A : i32
    scf.if %cond3A_1 {
      %swap3A_64 = arith.constant 0.000000e+00 : f32
      %swap3A_65 = arith.constant 0 : index
      %swap3A_66 = memref.load %arg5[%swap3A_65] : memref<1xf32, #tpu.memory_space<smem>>
      memref.store %swap3A_64, %arg5[%swap3A_65] : memref<1xf32, #tpu.memory_space<smem>>
    } else {
    }
    %get3A = arith.constant 0 : index
    %get3A_2 = arith.constant 0 : index
    %get3A_3 = arith.constant 0 : index
    %get3A_4 = vector.load %arg2[%get3A, %get3A_2, %get3A_3] : memref<1x1x2048xi32, #tpu.memory_space<vmem>>, vector<1x1x2048xi32>
    %reshape3A = vector.shape_cast %get3A_4 : vector<1x1x2048xi32> to vector<1x2048xi32>
    %shift_right_arithmetic3A = arith.constant 20 : i32
    %shift_right_arithmetic3A_5 = vector.broadcast %shift_right_arithmetic3A : i32 to vector<1x2048xi32>
    %shift_right_arithmetic3A_6 = arith.shrsi %reshape3A, %shift_right_arithmetic3A_5 : vector<1x2048xi32>
    %and3A = arith.constant 1023 : i32
    %and3A_7 = vector.broadcast %and3A : i32 to vector<1x2048xi32>
    %and3A_8 = arith.andi %shift_right_arithmetic3A_6, %and3A_7 : vector<1x2048xi32>
    %shift_right_arithmetic3A_9 = arith.constant 10 : i32
    %shift_right_arithmetic3A_10 = vector.broadcast %shift_right_arithmetic3A_9 : i32 to vector<1x2048xi32>
    %shift_right_arithmetic3A_11 = arith.shrsi %reshape3A, %shift_right_arithmetic3A_10 : vector<1x2048xi32>
    %and3A_12 = arith.constant 1023 : i32
    %and3A_13 = vector.broadcast %and3A_12 : i32 to vector<1x2048xi32>
    %and3A_14 = arith.andi %shift_right_arithmetic3A_11, %and3A_13 : vector<1x2048xi32>
    %and3A_15 = arith.constant 1023 : i32
    %and3A_16 = vector.broadcast %and3A_15 : i32 to vector<1x2048xi32>
    %and3A_17 = arith.andi %reshape3A, %and3A_16 : vector<1x2048xi32>
    %gt3A = arith.constant 0 : i32
    %gt3A_18 = vector.broadcast %gt3A : i32 to vector<1x2048xi32>
    %gt3A_19 = arith.cmpi sgt, %and3A_8, %gt3A_18 : vector<1x2048xi32>
    %gt3A_20 = arith.constant 0 : i32
    %gt3A_21 = vector.broadcast %gt3A_20 : i32 to vector<1x2048xi32>
    %gt3A_22 = arith.cmpi sgt, %and3A_14, %gt3A_21 : vector<1x2048xi32>
    %gt3A_23 = arith.constant 0 : i32
    %gt3A_24 = vector.broadcast %gt3A_23 : i32 to vector<1x2048xi32>
    %gt3A_25 = arith.cmpi sgt, %and3A_17, %gt3A_24 : vector<1x2048xi32>
    %jit3A = arith.constant 0 : i32
    %jit3A_26 = arith.constant 3 : i32
    %broadcast_in_dim3A = vector.broadcast %jit3A : i32 to vector<1x2048xi32>
    %broadcast_in_dim3A_27 = vector.broadcast %jit3A_26 : i32 to vector<1x2048xi32>
    %select_n3A = arith.select %gt3A_25, %broadcast_in_dim3A, %broadcast_in_dim3A_27 : vector<1x2048xi1>, vector<1x2048xi32>
    %jit3A_28 = arith.constant 1 : i32
    %broadcast_in_dim3A_29 = vector.broadcast %jit3A_28 : i32 to vector<1x2048xi32>
    %select_n3A_30 = arith.select %gt3A_22, %broadcast_in_dim3A_29, %select_n3A : vector<1x2048xi1>, vector<1x2048xi32>
    %jit3A_31 = arith.constant 2 : i32
    %broadcast_in_dim3A_32 = vector.broadcast %jit3A_31 : i32 to vector<1x2048xi32>
    %select_n3A_33 = arith.select %gt3A_19, %broadcast_in_dim3A_32, %select_n3A_30 : vector<1x2048xi1>, vector<1x2048xi32>
    %shift_right_arithmetic3A_34 = arith.constant 30 : i32
    %shift_right_arithmetic3A_35 = vector.broadcast %shift_right_arithmetic3A_34 : i32 to vector<1x2048xi32>
    %shift_right_arithmetic3A_36 = arith.shrsi %reshape3A, %shift_right_arithmetic3A_35 : vector<1x2048xi32>
    %and3A_37 = arith.constant 1 : i32
    %and3A_38 = vector.broadcast %and3A_37 : i32 to vector<1x2048xi32>
    %and3A_39 = arith.andi %shift_right_arithmetic3A_36, %and3A_38 : vector<1x2048xi32>
    %convert_element_type3A_40 = arith.sitofp %and3A_39 : vector<1x2048xi32> to vector<1x2048xf32>
    %get3A_41 = arith.constant 0 : index
    %get3A_42 = arith.constant 0 : index
    %get3A_43 = vector.load %arg1[%get3A_41, %get3A_42] : memref<8x2048xf32, #tpu.memory_space<vmem>>, vector<8x2048xf32>
    %iota3A = tpu.iota {dimensions = array<i32: 0>} : vector<8x2048xi32>
    %eq3A_44 = vector.broadcast %select_n3A_33 : vector<1x2048xi32> to vector<8x2048xi32>
    %eq3A_45 = arith.cmpi eq, %iota3A, %eq3A_44 : vector<8x2048xi32>
    %jit3A_46 = arith.constant 0.000000e+00 : f32
    %broadcast_in_dim3A_47 = vector.broadcast %jit3A_46 : f32 to vector<8x2048xf32>
    %select_n3A_48 = arith.select %eq3A_45, %get3A_43, %broadcast_in_dim3A_47 : vector<8x2048xi1>, vector<8x2048xf32>
    %reduce_sum3A = arith.constant dense<0.000000e+00> : vector<2048xf32>
    %reduce_sum3A_49 = vector.multi_reduction <add>, %select_n3A_48, %reduce_sum3A [0] : vector<8x2048xf32> to vector<2048xf32>
    %broadcast_in_dim3A_50 = vector.shape_cast %reduce_sum3A_49 : vector<2048xf32> to vector<1x2048xf32>
    %get3A_51 = arith.constant 0 : index
    %get3A_52 = memref.load %arg5[%get3A_51] : memref<1xf32, #tpu.memory_space<smem>>
    %mul3A = arith.mulf %broadcast_in_dim3A_50, %convert_element_type3A_40 : vector<1x2048xf32>
    %reduce_sum3A_53 = vector.shape_cast %mul3A : vector<1x2048xf32> to vector<1x1x2048xf32>
    %reduce_sum3A_54 = arith.constant dense<0.000000e+00> : vector<1xf32>
    %reduce_sum3A_55 = vector.multi_reduction <add>, %reduce_sum3A_53, %reduce_sum3A_54 [1, 2] : vector<1x1x2048xf32> to vector<1xf32>
    %reduce_sum3A_56 = vector.shape_cast %reduce_sum3A_55 : vector<1xf32> to vector<1x1x1xf32>
    %reduce_sum3A_57 = vector.extract %reduce_sum3A_56[0, 0, 0] : f32 from vector<1x1x1xf32>
    %add3A = arith.addf %get3A_52, %reduce_sum3A_57 : f32
    %swap3A = arith.constant 0 : index
    %swap3A_58 = memref.load %arg5[%swap3A] : memref<1xf32, #tpu.memory_space<smem>>
    memref.store %add3A, %arg5[%swap3A] : memref<1xf32, #tpu.memory_space<smem>>
    %eq3A_59 = arith.constant 15 : i32
    %eq3A_60 = arith.cmpi eq, %arg0, %eq3A_59 : i32
    %convert_element_type3A_61 = arith.extui %eq3A_60 : i1 to i32
    %cond3A_62 = arith.constant 0 : i32
    %cond3A_63 = arith.cmpi ne, %convert_element_type3A_61, %cond3A_62 : i32
    scf.if %cond3A_63 {
      %get3A_64 = arith.constant 0 : index
      %get3A_65 = arith.constant 0 : index
      %get3A_66 = memref.load %arg3[%get3A_64, %get3A_65] : memref<2x1xf32, #tpu.memory_space<smem>>
      %get3A_67 = arith.constant 0 : index
      %get3A_68 = memref.load %arg5[%get3A_67] : memref<1xf32, #tpu.memory_space<smem>>
      %sub3A = arith.subf %get3A_66, %get3A_68 : f32
      %get3A_69 = arith.constant 1 : index
      %get3A_70 = arith.constant 0 : index
      %get3A_71 = memref.load %arg3[%get3A_69, %get3A_70] : memref<2x1xf32, #tpu.memory_space<smem>>
      %max3A = arith.constant 1.000000e+00 : f32
      %max3A_72 = arith.maximumf %get3A_71, %max3A : f32
      %div3A = arith.divf %sub3A, %max3A_72 : f32
      %swap3A_73 = arith.constant 0 : index
      %swap3A_74 = arith.constant 0 : index
      %swap3A_75 = memref.load %arg4[%swap3A_73, %swap3A_74] : memref<1x1xf32, #tpu.memory_space<smem>>
      memref.store %div3A, %arg4[%swap3A_73, %swap3A_74] : memref<1x1xf32, #tpu.memory_space<smem>>
    } else {
    }
    return
  }
  func.func @transform_0(%arg0: i32) -> (i32, i32) {
    %c0_i32 = arith.constant 0 : i32
    %c0_i32_0 = arith.constant 0 : i32
    return %c0_i32, %arg0 : i32, i32
  }
  func.func @transform_1(%arg0: i32) -> (i32, i32, i32) {
    %c0_i32 = arith.constant 0 : i32
    %c0_i32_0 = arith.constant 0 : i32
    %c0_i32_1 = arith.constant 0 : i32
    return %arg0, %c0_i32, %c0_i32_0 : i32, i32, i32
  }
  func.func @transform_2(%arg0: i32) -> (i32, i32) {
    %c0_i32 = arith.constant 0 : i32
    %c0_i32_0 = arith.constant 0 : i32
    %c0_i32_1 = arith.constant 0 : i32
    return %c0_i32, %c0_i32_0 : i32, i32
  }
  func.func @transform_3(%arg0: i32) -> (i32, i32) {
    %c0_i32 = arith.constant 0 : i32
    %c0_i32_0 = arith.constant 0 : i32
    %c0_i32_1 = arith.constant 0 : i32
    return %c0_i32, %c0_i32_0 : i32, i32
  }
}

</mosaic_0001>

<sc_bundles>
// kernel: kernel.5.cloned.1.call-start
scs
__scs_entry_jumppad:
0x0: {  	(pc) =	sbr.rel $0x88, $3  }
0x1: {  	(tag) =	ssettag $0x0;
	lr =	simm.s32 $0x1  }
0x2: {  	[smem:$0x3F9A] =	sst lr;
	_ =	strace $0xD0000000  }
0x3: {  	_ = 	snop  }
0x4: {  	_ = 	snop  }
0x5: {  	_ = 	snop  }
0x6: {  	_ = 	snop  }
0x7: {  	_ = 	snop  }
__scs_overlays_trampoline_lowered:
0x8: {  	[smem:$0x3FA9] =	sst s0  }
0x9: {  	[smem:$0x3FAA] =	sst s1  }
0xa: {  	[smem:$0x3FAB] =	sst s2  }
0xb: {  	[smem:$0x3FAC] =	sst s3  }
0xc: {  	[smem:$0x3FAD] =	sst s4  }
0xd: {  	[smem:$0x3FAE] =	sst s5  }
0xe: {  	[smem:$0x3FAF] =	sst s6  }
0xf: {  	[smem:$0x3FB0] =	sst s7  }
0x10: {  	[smem:$0x3FB1] =	sst s8  }
0x11: {  	[smem:$0x3FB2] =	sst s9;
	s0 =	simm.s32 @!p0 $0x0  }
0x12: {  	s1 =	sld [smem:$0x3F98];
	s0 =	simm.s32 @p0 $0x1  }
0x13: {  	[smem:$0x3FB3] =	sst s0;
	s0 =	simm.s32 @!p1 $0x0  }
0x14: {  	s2 =	sld [smem:$0x3F97];
	s0 =	simm.s32 @p1 $0x1  }
0x15: {  	[smem:$0x3FB4] =	sst s0;
	s0 =	simm.s32 @!p2 $0x0  }
0x16: {  	s3 =	sld [smem:$0x3FDB];
	s0 =	simm.s32 @p2 $0x1  }
0x17: {  	s4 =	simm.s32 $0x1BF5;
	[smem:$0x3FB6] =	sst s0  }
0x18: {  	s0 =	sld [smem:$0x3F99];
	_ =	swait.ge [sflag:s4], $0x0  }
0x19: {  	s7 =	sld [smem:$0x3F9A]  }
0x1a: {  	s8 =	sadd.s32 $0xFFFFE003, lr  }
0x1b: {  	s9 =	sadd.s32 $0xFFFFFEF7, lr;
	s5 =	simm.s32 $0xFFFFFFFF;
	p2 =	slt.u32 s8, $0xFFFFF086  }
0x1c: {  	p1 =	slt.u32 s9, $0xF7A;
	s5 =	simm.s32 @!p2 $0x0  }
0x1d: {  	s5 =	simm.s32 @p1 $0x1;
	p0 =	seq.s32 s7, s2  }
0x1e: {  	s7 =	smul.u32 @!p0 $0xF7A, s2;
	p2 =	seq.s32 @!p0 s5, $0x0  }
0x1f: {  	s9 =	smul.u32 $0xF7A, s1;
	s8 =	simm.s32 @!p0 $0x1BF5;
	p2 =	por !p2, p0  }
0x20: {  	[sflag:s8] =	ssyncset.s32 @!p0 $0xFFFFF086;
	s6 =	sadd.s32 @!p0 s3, s7;
	s7 =	simm.s32 @!p0 $0x108  }
0x21: {  	s3 =	sadd.s32 s3, s9;
	s6 =	sadd.s32 @!p0 $0x88, s6;
	s7 =	simm.s32 @p2 $0x1082  }
0x22: {  	[simem:s7], [sflag:s8] =	dma.local @!p0 [hbm:s6], $0xF7A  }
0x23: {  	s9 =	sor.u32 $0xD0000000, s2;
	s6 =	simm.s32 $0x108;
	_ =	swait.ge @!p0 [sflag:s8], $0x0  }
0x24: {  	s3 =	sadd.s32 $0x88, s3;
	s6 =	simm.s32 @!p1 $0x1082;
	[sflag:s4] =	ssyncset.s32 $0xFFFFF086  }
0x25: {  	[simem:s6], [sflag:s4] =	dma.local [hbm:s3], $0xF7A  }
0x26: {  	[smem:$0x3F9A] =	sst s1;
	(tag) =	ssettag s2;
	_ =	strace s9  }
0x27: {  	s1 =	sld [smem:$0x3FAA]  }
0x28: {  	s2 =	sld [smem:$0x3FAB]  }
0x29: {  	s4 =	sld [smem:$0x3FAD]  }
0x2a: {  	p0 =	seq.s32 s5, $0x0;
	s5 =	sld [smem:$0x3FAE]  }
0x2b: {  	s6 =	sld [smem:$0x3FAF]  }
0x2c: {  	s7 =	sld [smem:$0x3FB0]  }
0x2d: {  	s3 =	simm.s32 $0x108;
	s8 =	sld [smem:$0x3FB1]  }
0x2e: {  	s3 =	simm.s32 @!p0 $0x1082;
	s9 =	sld [smem:$0x3FB2]  }
0x2f: {  	lr =	sadd.s32 s0, s3;
	s0 =	sld [smem:$0x3FA9]  }
0x30: {  	s3 =	sld [smem:$0x3FAC]  }
0x31: {  	[smem:$0x3FB5] =	sst s10  }
0x32: {  	s10 =	sld [smem:$0x3FB3];
	_ =	sdelay $0x3  }
0x33: {  	p0 =	seq.s32 s10, $0x1;
	s10 =	sld [smem:$0x3FB5];
	_ =	sdelay $0x3  }
0x34: {  	[smem:$0x3FB5] =	sst s10  }
0x35: {  	s10 =	sld [smem:$0x3FB4];
	_ =	sdelay $0x3  }
0x36: {  	p1 =	seq.s32 s10, $0x1;
	s10 =	sld [smem:$0x3FB5];
	_ =	sdelay $0x3  }
0x37: {  	[smem:$0x3FB5] =	sst s10  }
0x38: {  	s10 =	sld [smem:$0x3FB6]  }
0x39: {  	_ = 	snop;
	(pc) =	sbr.ind lr, $3  }
0x3a: {  	_ = 	snop  }
0x3b: {  	_ = 	snop  }
0x3c: {  	p2 =	seq.s32 s10, $0x1;
	s10 =	sld [smem:$0x3FB5]  }
0x3d: {  	_ =	shalt  }
0x3e: {  	_ =	shalt  }
0x3f: {  	_ =	shalt  }
0x40: {  	_ =	shalt  }
0x41: {  	_ =	shalt  }
0x42: {  	_ =	shalt  }
0x43: {  	_ =	shalt  }
0x44: {  	_ =	shalt  }
0x45: {  	_ =	shalt  }
0x46: {  	_ =	shalt  }
0x47: {  	_ =	shalt  }
0x48: {  	_ =	shalt  }
0x49: {  	_ =	shalt  }
0x4a: {  	_ =	shalt  }
0x4b: {  	_ =	shalt  }
0x4c: {  	_ =	shalt  }
0x4d: {  	_ =	shalt  }
0x4e: {  	_ =	shalt  }
0x4f: {  	_ =	shalt  }
0x50: {  	_ =	shalt  }
0x51: {  	_ =	shalt  }
0x52: {  	_ =	shalt  }
0x53: {  	_ =	shalt  }
0x54: {  	_ =	shalt  }
0x55: {  	_ =	shalt  }
0x56: {  	_ =	shalt  }
0x57: {  	_ =	shalt  }
0x58: {  	_ =	shalt  }
0x59: {  	_ =	shalt  }
0x5a: {  	_ =	shalt  }
0x5b: {  	_ =	shalt  }
0x5c: {  	_ =	shalt  }
0x5d: {  	_ =	shalt  }
0x5e: {  	_ =	shalt  }
0x5f: {  	_ =	shalt  }
0x60: {  	_ =	shalt  }
0x61: {  	_ =	shalt  }
0x62: {  	_ =	shalt  }
0x63: {  	_ =	shalt  }
0x64: {  	_ =	shalt  }
0x65: {  	_ =	shalt  }
0x66: {  	_ =	shalt  }
0x67: {  	_ =	shalt  }
0x68: {  	_ =	shalt  }
0x69: {  	_ =	shalt  }
0x6a: {  	_ =	shalt  }
0x6b: {  	_ =	shalt  }
0x6c: {  	_ =	shalt  }
0x6d: {  	_ =	shalt  }
0x6e: {  	_ =	shalt  }
0x6f: {  	_ =	shalt  }
0x70: {  	_ =	shalt  }
0x71: {  	_ =	shalt  }
0x72: {  	_ =	shalt  }
0x73: {  	_ =	shalt  }
0x74: {  	_ =	shalt  }
0x75: {  	_ =	shalt  }
0x76: {  	_ =	shalt  }
0x77: {  	_ =	shalt  }
0x78: {  	_ =	shalt  }
0x79: {  	_ =	shalt  }
0x7a: {  	_ =	shalt  }
0x7b: {  	_ =	shalt  }
0x7c: {  	_ =	shalt  }
0x7d: {  	_ =	shalt  }
0x7e: {  	_ =	shalt  }
0x7f: {  	_ =	shalt  }
0x80: {  	_ =	shalt  }
0x81: {  	_ =	shalt  }
0x82: {  	_ =	shalt  }
0x83: {  	_ =	shalt  }
0x84: {  	_ =	shalt  }
0x85: {  	_ =	shalt  }
0x86: {  	_ =	shalt  }
0x87: {  	_ =	shalt  }
.Lfunc_end0:
.L_simem_size_0:
called_computation_lowered:
.L_overlay_start_0:
0x88: {  	s2 =	sld [smem:$0x3FD9]  }
0x89: {  	s3 =	sld [smem:$0x3FFE];
	_ =	sdelay $0x1  }
0x8a: {  	s1 =	srdreg.scid  }
0x8b: {  	s0 =	sand.u32 $0x1, s1  }
0x8c: {  	s17 =	sshll.u32 s0, $0xA;
	s2 =	sadd.s32 s3, s2  }
0x8d: {  	s2 =	sadd.s32 s2, s17  }
0x8e: {  	[smem:$0x3FC1] =	sst s2  }
0x8f: {  	_ = 	snop  }
0x90: {  	s2 =	sld [smem:$0x3FC5];
	(tm) =	ssettm $0x1  }
0x91: {  	s18 =	sld [smem:$0x3FFB];
	_ =	sdelay $0x3  }
0x92: {  	_ =	strace s18  }
0x93: {  	s3 =	sld [smem:$0x3FFC];
	_ =	sdelay $0x3  }
0x94: {  	_ =	strace s3  }
0x95: {  	s3 =	sld [smem:$0x3FFD];
	_ =	sdelay $0x3  }
0x96: {  	_ =	strace s3  }
0x97: {  	_ =	strace $0x8FFFFFFF  }
0x98: {  	s19 =	sld [smem:$0x3FDB];
	_ =	sdelay $0x1  }
0x99: {  	s4 =	simm.s32 $_scs_section_size  }
0x9a: {  	s5 =	simm.s32 $_size__tile_overlayer_lowered;
	s6 =	simm.s32 $_tile_overlayer_lowered  }
0x9b: {  	s22 =	simm.s32 $0x1BFF;
	s21 =	sshll.u32 s6, $0x1;
	s3 =	sadd.s32 s4, s19  }
0x9c: {  	s7 =	simm.s32 $0x0;
	s20 =	sshll.u32 s5, $0x1;
	s5 =	sadd.s32 s21, s3  }
0x9d: {  	[timem:s7], [sflag:s22] =	dma.local [hbm:s5], s20  }
0x9e: {  	_ =	swait.ge [sflag:s22], s20  }
0x9f: {  	s4 =	ssub.s32 $0x0, s20;
	[sflag:s22] =	ssyncset.done $0x0  }
0xa0: {  	[sflag:s22] =	ssyncadd.s32 s4;
	_ =	sdelay $0x1  }
0xa1: {  	s23 =	simm.s32 $0x1B8B  }
0xa2: {  	_ =	swait.ge [sflag:s23], $0x1  }
0xa3: {  	[sflag:s23] =	ssyncset.done $0x0  }
0xa4: {  	s25 =	simm.s32 $0x1B8E;
	s24 =	sld [smem:$0x3FFE];
	[sflag:s23] =	ssyncadd.s32 $0xFFFFFFFF  }
0xa5: {  	s26 =	simm.s32 $execute0_lowered;
	[smem:$0x3FD2] =	sst s25  }
0xa6: {  	s5 =	sshll.u32 s26, $0x1;
	_ =	strace $0x80000046;
	[dreg:$0x1] =	wrdreg $0xFFFFFFFF  }
0xa7: {  	s28 =	simm.s32 $_size_execute0_lowered;
	s3 =	sadd.s32 s3, s5;
	[dreg:$0x0] =	wrdreg $0x0  }
0xa8: {  	s5 =	sshll.u32 s28, $0x1;
	[dreg:$0x2] =	wrdreg s3  }
0xa9: {  	[dreg:$0x3] =	wrdreg s5  }
0xaa: {  	[dreg:$0x4] =	wrdreg $0xC0  }
0xab: {  	_ =	task [dreg:s7], $0x5FFFF  }
0xac: {  	[dreg:$0x1] =	wrdreg $0xFFFFFFFF  }
0xad: {  	[dreg:$0x0] =	wrdreg $0x60  }
0xae: {  	[dreg:$0x2] =	wrdreg s24  }
0xaf: {  	[dreg:$0x3] =	wrdreg s2  }
0xb0: {  	[dreg:$0x4] =	wrdreg $0x9  }
0xb1: {  	_ =	task.clear_ibuf [dreg:s7], $0x5FFFF;
	_ =	strace $0x90000046  }
0xb2: {  	s29 =	simm.s32 $0x9;
	_ =	strace $0x80000048  }
0xb3: {  	_ =	swait.ge [sflag:s29], $0x1  }
0xb4: {  	[sflag:s29] =	ssyncadd.s32 $0xFFFFFFFF  }
0xb5: {  	_ =	strace $0x90000048  }
0xb6: {  	_ =	sfence  }
0xb7: {  	s30 =	sld [smem:$0x0];
	_ =	sdelay $0x2  }
0xb8: {  	s31 =	sshll.u32 s1, $0xD;
	s1 =	sshrl.u32 s1, $0x2  }
0xb9: {  	s3 =	sand.u32 $0x4000, s31;
	s1 =	sadd.s32 s1, s30  }
0xba: {  	s0 =	sor.u32 s3, s0;
	s1 =	sshll.u32 s1, $0x11  }
0xbb: {  	s0 =	sor.u32 s1, s0  }
0xbc: {  	s0 =	sadd.s32 $0x8F2B, s0  }
0xbd: {  	[sflag:s0] =	ssyncadd.remote.s32 $0x1  }
0xbe: {  	_ =	sfence.sel $0xFFFF  }
0xbf: {  	[dreg:$0x0] =	wrdreg $0xFFFFFFFF;
	(pc) =	sbr.abs _section_cstart, $3  }
0xc0: {  	[dreg:$0x1] =	wrdreg $0xFFFFFFFF  }
0xc1: {  	_ =	task.clear_ibuf [dreg:s7], $0x2FFFF;
	_ =	strace $0x9FFFFFFF  }
0xc2: {  	(tm) =	ssettm $0x7FFFFFFF  }
0xc3: {  	_ =	shalt  }
tec
execute0_lowered:
.L_overlay_start_1:
0x0: {  	(tag) =	ssettag $0x1  }
0x1: {  	s1 =	stileid.u32  }
0x2: {  	p0 =	sgt.u32 s1, $0x7  }
.Ltmp0:
0x3: {  	_ = 	snop;
	(pc) =	sbr.rel @p0 .LBB2_7-.Ltmp0, $4  }
0x4: {  	s3 =	rddreg [dreg:$0x0]  }
0x5: {  	s5 =	rddreg [dreg:$0x1];
	s2 =	simm.s32 $0x0  }
0x6: {  	[smem:$0x7FF] =	sst s2  }
0x7: {  	s0 =	rddreg [dreg:$0x2];
	_ =	strace $0x80000047  }
0x8: {  	s4 =	srdreg.scid;
	s6 =	sshll.u32 s1, $0x8;
	s7 =	sshrl.u32 s1, $0x2  }
0x9: {  	s9 =	sadd.s32 $0x2400, s3;
	s13 =	simm.s32 $0x200;
	s14 =	simm.s32 $0x600  }
0xa: {  	s15 =	simm.s32 $0x800;
	s16 =	simm.s32 $0x1000;
	s4 =	sand.u32 $0x1, s4  }
0xb: {  	s6 =	sand.u32 $0x300, s6;
	s29 =	sshll.u32 s7, $0xC;
	s8 =	sshll.u32 s4, $0x7  }
0xc: {  	s7 =	sshll.u32 s7, $0xE;
	s11 =	ssub.s32 $0x2, s4;
	s6 =	sor.u32 s8, s6  }
0xd: {  	s12 =	sshrl.u32 s11, $0x1;
	s8 =	sor.u32 s29, s6;
	s6 =	sor.u32 s7, s6  }
0xe: {  	s31 =	ssub.s32 s11, s12;
	s11 =	simm.s32 $0x400;
	s8 =	sshrl.u32 s8, $0x3  }
0xf: {  	s12 =	simm.s32 $0x1;
	s6 =	sshrl.u32 s6, $0x3;
	s30 =	sadd.s32 s8, s3  }
0x10: {  	s10 =	sadd.s32 s6, s3;
	s5 =	sadd.s32 s5, s8;
	s8 =	sadd.s32 s9, s8  }
0x11: {  	s9 =	smax.u32 s31, $0x1;
	s3 =	sadd.s32 $0x2000, s30;
	s4 =	sadd.s32 $0xC00, s30  }
0x12: {  	v0 =	vimm.s32 $0x0;
	v1 =	vimm.s32 $0x100000;
	s6 =	sadd.s32 $0x1000, s10;
	s7 =	sadd.s32 $0x2800, s10;
	s10 =	simm.s32 $0x80  }
.LBB2_2:
0x13: {  	s17 =	simm.s32 $0x0  }
0x14: {  	[tilespmem:s17], [sflag:$0x1] =	stream.strided.gather [hbm4b:s8+s10], $0x200, s11, s10, $0x38;
	[tilespmem:$0x1800] =	vst v63  }
0x15: {  	_ =	swait.ge [sflag:s12], $0x200  }
0x16: {  	[sflag:s12] =	ssyncset.done $0x0  }
0x17: {  	[sflag:s12] =	ssyncadd.s32 $0xFFFFFE00  }
0x18: {  	[tilespmem:s13], [sflag:$0x1] =	stream.strided.gather [hbm4b:s3+s10], $0x200, s11, s10, $0x38;
	[tilespmem:$0x1800] =	vst v63  }
0x19: {  	_ =	swait.ge [sflag:s12], $0x200  }
0x1a: {  	[sflag:s12] =	ssyncset.done $0x0  }
0x1b: {  	[sflag:s12] =	ssyncadd.s32 $0xFFFFFE00  }
0x1c: {  	[tilespmem:s11], [sflag:$0x1] =	stream.strided.gather [hbm4b:s4+s10], $0x200, s11, s10, $0x38;
	[tilespmem:$0x1800] =	vst v63  }
0x1d: {  	_ =	swait.ge [sflag:s12], $0x200  }
0x1e: {  	[sflag:s12] =	ssyncset.done $0x0  }
0x1f: {  	[sflag:s12] =	ssyncadd.s32 $0xFFFFFE00  }
0x20: {  	[tilespmem:s14], [sflag:$0x1] =	stream.strided.gather [hbm4b:s5+s10], $0x200, s11, s10, $0x38;
	[tilespmem:$0x1800] =	vst v63  }
0x21: {  	_ =	swait.ge [sflag:s12], $0x200  }
0x22: {  	[sflag:s12] =	ssyncset.done $0x0  }
0x23: {  	[sflag:s12] =	ssyncadd.s32 $0xFFFFFE00  }
0x24: {  	[tilespmem:s15], [sflag:$0x1] =	stream.strided.gather [hbm4b:s6+s10], $0x800, s11, s10, $0x38;
	[tilespmem:$0x1800] =	vst v63  }
0x25: {  	_ =	swait.ge [sflag:s12], $0x800  }
0x26: {  	[sflag:s12] =	ssyncset.done $0x0  }
0x27: {  	s17 =	simm.s32 $0x0;
	[sflag:s12] =	ssyncadd.s32 $0xFFFFF800  }
0x28: {  	s18 =	simm.s32 $0x40;
	s19 =	simm.s32 $0x0;
	v2 =	vld [tilespmem:s17+$0x800]  }
.LBB2_3:
0x29: {  	p0 =	sne.s32 s18, $0x1FC0  }
.Ltmp1:
0x2a: {  	_ = 	snop;
	(pc) =	sbr.rel @p0 .LBB2_3-.Ltmp1, $3  }
0x2b: {  	_ =	sdelay $0x1  }
0x2c: {  	s20 =	sshra.s32 s18, $0x2;
	s18 =	sadd.s32 $0x40, s18;
	v3 =	vshll.u32 v2, $0x1E  }
0x2d: {  	v2 =	vld [tilespmem:s20+$0x800];
	[tilespmem:s19+$0x1000] =	vst v3;
	s19 =	smov.u32 s20  }
0x2e: {  	_ =	sdelay $0x3  }
0x2f: {  	v2 =	vshll.u32 v2, $0x1E  }
0x30: {  	[tilespmem:s19+$0x1000] =	vst v2  }
0x31: {  	v2 =	vld [tilespmem:s17+$0x400]  }
0x32: {  	s18 =	simm.s32 $0x40;
	v3 =	vld [tilespmem:s17+$0x600]  }
.LBB2_5:
0x33: {  	p0 =	sne.s32 s18, $0x7C0;
	v4 =	vld [tilespmem:s17+$0x200]  }
0x34: {  	v5 =	vld [tilespmem:s17+$0x0];
	_ =	sdelay $0x3  }
0x35: {  	v4 =	vadd.s32 $0xFFFFFFFF, v4  }
0x36: {  	vm0 =	vne.s32 v2, $0x0;
	vm1 =	vgt.s32 v3, $0x0;
	vm2 =	vne.s32 v4, v5  }
0x37: {  	vm0 =	vmand vm0, vm1;
	v2 =	vsel vm2, $0x1, v1  }
.Ltmp2:
0x38: {  	v2 =	vnsel vm0, $0x0, v2;
	vm0 =	vmand vm2, vm0;
	(pc) =	sbr.rel @p0 .LBB2_5-.Ltmp2, $4  }
0x39: {  	v3 =	vsel vm0, $0x400, v0;
	[tilespmem:v5+s16+$0x0] =	vst.idx.add.s32.msk $0xffff, v2  }
0x3a: {  	s17 =	sshra.s32 s18, $0x2;
	[tilespmem:v4+s16+$0x0] =	vst.idx.add.s32.msk $0xffff, v3  }
0x3b: {  	v2 =	vld [tilespmem:s17+$0x400]  }
0x3c: {  	s18 =	sadd.s32 $0x40, s18;
	v3 =	vld [tilespmem:s17+$0x600]  }
0x3d: {  	v4 =	vld [tilespmem:s17+$0x200]  }
0x3e: {  	v5 =	vld [tilespmem:s17+$0x0];
	_ =	sdelay $0x3  }
0x3f: {  	v4 =	vadd.s32 $0xFFFFFFFF, v4  }
0x40: {  	vm0 =	vne.s32 v2, $0x0;
	vm1 =	vgt.s32 v3, $0x0;
	vm2 =	vne.s32 v4, v5  }
0x41: {  	vm0 =	vmand vm0, vm1;
	v2 =	vsel vm2, $0x1, v1  }
0x42: {  	s2 =	sadd.s32 $0x1, s2;
	v2 =	vnsel vm0, $0x0, v2;
	vm0 =	vmand vm2, vm0  }
0x43: {  	p0 =	sne.s32 s2, s9;
	v3 =	vsel vm0, $0x400, v0;
	[tilespmem:v5+s16+$0x0] =	vst.idx.add.s32.msk $0xffff, v2  }
.Ltmp3:
0x44: {  	[tilespmem:v4+s16+$0x0] =	vst.idx.add.s32.msk $0xffff, v3;
	(pc) =	sbr.rel @p0 .LBB2_2-.Ltmp3, $4  }
0x45: {  	[hbm4b:s7+s10] =	stream.strided.scatter [tilespmem:s16], [sflag:$0x1], $0x800, s11, s10, $0x38;
	[tilespmem:$0x1800] =	vst v63  }
0x46: {  	_ =	swait.ge [sflag:s12], $0x800  }
0x47: {  	[sflag:s12] =	ssyncset.done $0x0  }
0x48: {  	[sflag:s12] =	ssyncadd.s32 $0xFFFFF800  }
.LBB2_7:
0x49: {  	_ =	sfence.sel $0x180000  }
0x4a: {  	[bflag:$0x0] =	sbarrier.arrive $0xFFFF  }
0x4b: {  	p0 =	sne.s32 s1, $0x0;
	_ =	strace $0x90000047  }
0x4c: {  	s0 =	sadd.s32 @!p0 $0x100000, s0;
	[bflag:$0x2] =	sbarrier.arrive $0xFFFF  }
0x4d: {  	[sflag:s0] =	ssyncadd.tile.s32 @!p0 $0x1;
	_ =	shalt  }
.Lfunc_end2:
_tile_overlayer_lowered:
.L_overlay_start_2:
0x4e: {  	(tag) =	ssettag $0x2  }
0x4f: {  	s0 =	rddreg [dreg:$0x0];
	s2 =	stileid.u32  }
0x50: {  	s1 =	rddreg [dreg:$0x1];
	p0 =	sne.s32 s2, $0x0  }
0x51: {  	s3 =	rddreg [dreg:$0x2];
	[bflag:$0x3] =	sbarrier.arrive $0xFFFF;
	s2 =	simm.s32 @!p0 $0x1C01  }
0x52: {  	[timem:s3], [sflag:s2] =	dma.local @!p0 [hbm:s0], s1  }
0x53: {  	s0 =	simm.s32 @!p0 $0x1  }
0x54: {  	_ =	swait.ge @!p0 [sflag:s0], s1  }
0x55: {  	s1 =	ssub.s32 @!p0 $0x0, s1;
	[sflag:s0] =	ssyncset.done @!p0 $0x0  }
0x56: {  	[sflag:s0] =	ssyncadd.s32 @!p0 s1  }
0x57: {  	[bflag:$0x3] =	sbarrier.arrive $0xFFFF  }
0x58: {  	_ =	shalt  }

</sc_bundles>
